<compile_context>
chip_gen: v7x
topology: tpu7x:2x2x1
jax: 0.10.2.dev20260603
libtpu: 0.0.44.dev20260713+nightly
codegen_flags: <defaults>
</compile_context>

<pallas_src>
import functools

import jax
import jax.numpy as jnp
from jax import lax
from jax.experimental import pallas as pl
from jax.experimental.pallas import tpu as pltpu
from jax.experimental.pallas import tpu_sc as plsc

N = 10000
D = 128
H = 64
K = 10
E = 160000
EPS = 1e-15

_NC = 2
_NS = 16
_NW = _NC * _NS
_G = 128
_GPW = 40
_EPAD = _NW * _GPW * _G
_NPAD = 10240
_RPT = _NPAD // _NS


def _mm_body(x_ref, w_ref, o_ref):
    o_ref[...] = jnp.dot(x_ref[...], w_ref[...],
                         preferred_element_type=jnp.float32)


def _matmul(x, w, blk):
    m, d_in = x.shape
    d_out = w.shape[1]
    return pl.pallas_call(
        _mm_body,
        grid=(m // blk,),
        in_specs=[pl.BlockSpec((blk, d_in), lambda i: (i, 0)),
                  pl.BlockSpec((d_in, d_out), lambda i: (0, 0))],
        out_specs=pl.BlockSpec((blk, d_out), lambda i: (i, 0)),
        out_shape=jax.ShapeDtypeStruct((m, d_out), jnp.float32),
    )(x, w)


def _sc_scatter(h, src2d, dst2d, ew2d):
    mesh = plsc.VectorSubcoreMesh(core_axis_name="c", subcore_axis_name="s")

    @functools.partial(
        pl.kernel,
        mesh=mesh,
        out_type=jax.ShapeDtypeStruct((_NC, _NPAD, H), jnp.float32),
        scratch_types=[
            pltpu.VMEM((_GPW, _G), jnp.int32),
            pltpu.VMEM((_GPW, _G), jnp.int32),
            pltpu.VMEM((_GPW, _G), jnp.float32),
            pltpu.VMEM((_G, H), jnp.float32),
            pltpu.VMEM_SHARED((_NPAD, H), jnp.float32),
            pltpu.SemaphoreType.DMA,
        ],
        compiler_params=pltpu.CompilerParams(use_tc_tiling_on_sc=False),
    )
    def k(h_hbm, src_hbm, dst_hbm, ew_hbm, out_hbm,
          src_v, dst_v, ew_v, rows_v, acc, sem):
        c = lax.axis_index("c")
        s = lax.axis_index("s")
        wid = s * _NC + c

        zero = jnp.zeros((16,), jnp.float32)

        def zbody(r, carry):
            for q in range(H // 16):
                rows_v[r, pl.ds(16 * q, 16)] = zero
            return carry

        lax.fori_loop(0, _G, zbody, 0)
        row0 = s * _RPT
        for i in range(_RPT // _G):
            pltpu.sync_copy(rows_v, acc.at[pl.ds(row0 + _G * i, _G)])
        plsc.subcore_barrier()

        g0 = wid * _GPW
        pltpu.sync_copy(src_hbm.at[pl.ds(g0, _GPW)], src_v)
        pltpu.sync_copy(dst_hbm.at[pl.ds(g0, _GPW)], dst_v)
        pltpu.sync_copy(ew_hbm.at[pl.ds(g0, _GPW)], ew_v)

        def gbody(j, carry):
            pltpu.async_copy(h_hbm.at[src_v.at[j]], rows_v, sem).wait()

            def sbody(g, carry2):
                wv = ew_v[j, pl.ds(16 * g, 16)]
                for l in range(16):
                    e = 16 * g + l
                    w = wv[l]
                    for q in range(H // 16):
                        sl = pl.ds(16 * q, 16)
                        rows_v[e, sl] = rows_v[e, sl] * w
                return carry2

            lax.fori_loop(0, _G // 16, sbody, 0)

            pltpu.sync_copy(rows_v, acc.at[dst_v.at[j]], add=True)
            return carry

        lax.fori_loop(0, _GPW, gbody, 0)
        plsc.subcore_barrier()

        pltpu.sync_copy(acc.at[pl.ds(row0, _RPT)],
                        out_hbm.at[c].at[pl.ds(row0, _RPT)])

    return k(h, src2d, dst2d, ew2d)


def _head(parts, b1, wm, bm, blk):
    grid = N // blk

    def body(a_ref, b1_ref, wm_ref, bm_ref, p_ref, loss_ref, accsq):
        i = pl.program_id(0)

        @pl.when(i == 0)
        def _():
            accsq[...] = jnp.zeros_like(accsq)

        a = a_ref[0] + a_ref[1] + b1_ref[...]
        hr = jnp.maximum(a, 0.0)
        sblk = jnp.dot(hr, wm_ref[...],
                       preferred_element_type=jnp.float32) + bm_ref[...]
        mx = jnp.max(sblk, axis=-1, keepdims=True)
        ex = jnp.exp(sblk - mx)
        p = ex / jnp.sum(ex, axis=-1, keepdims=True)
        p_ref[...] = p
        accsq[...] += jnp.sum(p * p, axis=0, keepdims=True)

        @pl.when(i == grid - 1)
        def _():
            tr = jnp.sum(jnp.sqrt(accsq[...] + EPS))
            loss_ref[...] = jnp.reshape(-tr / jnp.sqrt(jnp.float32(N * K)),
                                        (1, 1))

    return pl.pallas_call(
        body,
        grid=(grid,),
        in_specs=[
            pl.BlockSpec((_NC, blk, H), lambda i: (0, i, 0)),
            pl.BlockSpec((1, H), lambda i: (0, 0)),
            pl.BlockSpec((H, K), lambda i: (0, 0)),
            pl.BlockSpec((1, K), lambda i: (0, 0)),
        ],
        out_specs=[
            pl.BlockSpec((blk, K), lambda i: (i, 0)),
            pl.BlockSpec((1, 1), lambda i: (0, 0)),
        ],
        out_shape=[
            jax.ShapeDtypeStruct((N, K), jnp.float32),
            jax.ShapeDtypeStruct((1, 1), jnp.float32),
        ],
        scratch_shapes=[pltpu.VMEM((1, K), jnp.float32)],
    )(parts, b1, wm, bm)


def kernel(x, edge_index, edge_weight, W1, b1, Wm, bm):
    src = edge_index[0]
    dst = edge_index[1]
    pad = _EPAD - E
    src2d = jnp.concatenate(
        [src, jnp.zeros((pad,), jnp.int32)]).reshape(_EPAD // _G, _G)
    dst2d = jnp.concatenate(
        [dst, jnp.zeros((pad,), jnp.int32)]).reshape(_EPAD // _G, _G)
    ew2d = jnp.concatenate(
        [edge_weight, jnp.zeros((pad,), jnp.float32)]).reshape(_EPAD // _G, _G)

    h = _matmul(x, W1, blk=2000)
    parts = _sc_scatter(h, src2d, dst2d, ew2d)[:, :N]
    p, loss = _head(parts, b1.reshape(1, H), Wm, bm.reshape(1, K), blk=2000)
    return p, loss.reshape(())

# --- scband reference (transcript-rebuilt; emitter-appended) ---
"""Pipeline reference for scband-net-47115791237865 (READ-ONLY COPY).

The authoritative reference and input builder live on the scoring server;
editing this copy changes nothing except your own understanding.
"""

import jax, jax.numpy as jnp
import numpy as np

N = 10000
D = 128
H = 64
K = 10
E = 160000
EPS = 1e-15

def setup_inputs(seed: int = 0) -> dict:
    key = jax.random.key(seed)
    ks = jax.random.split(key, 6)
    x = jax.random.normal(ks[0], (N, D), dtype=jnp.float32)
    edge_index = jax.random.randint(ks[1], (2, E), 0, N, dtype=jnp.int32)
    edge_weight = jax.random.uniform(ks[2], (E,), dtype=jnp.float32)
    W1 = jax.random.normal(ks[3], (D, H), dtype=jnp.float32) / np.sqrt(D)
    b1 = jnp.zeros((H,), dtype=jnp.float32)
    Wm = jax.random.normal(ks[4], (H, K), dtype=jnp.float32) / np.sqrt(H)
    bm = jnp.zeros((K,), dtype=jnp.float32)
    return {"x": x, "edge_index": edge_index, "edge_weight": edge_weight,
            "W1": W1, "b1": b1, "Wm": Wm, "bm": bm}

def reference(x, edge_index, edge_weight, W1, b1, Wm, bm):
    # GCNConv(normalize=False): h = scatter_add_dst(edge_weight * (x @ W)[src]) + b
    src = edge_index[0]
    dst = edge_index[1]
    n = x.shape[0]
    h = x @ W1
    msg = h[src] * edge_weight[:, None]
    agg = jnp.zeros((n, h.shape[1]), dtype=h.dtype).at[dst].add(msg)
    h = jax.nn.relu(agg + b1)
    # mlp (single Linear since mlp_units=[])
    s = h @ Wm + bm
    # to_dense_adj(edge_index, edge_attr=edge_weight)
    adj = jnp.zeros((n, n), dtype=jnp.float32).at[src, dst].add(edge_weight)
    # just_balance_pool(h, adj, s)
    x3 = h[None]
    adj3 = adj[None]
    s3 = jax.nn.softmax(s[None], axis=-1)
    st = jnp.swapaxes(s3, 1, 2)
    out = jnp.matmul(st, x3)
    out_adj = jnp.matmul(jnp.matmul(st, adj3), s3)
    ss = jnp.matmul(st, s3)
    ss_sqrt = jnp.sqrt(ss + EPS)
    loss = jnp.mean(-jnp.trace(ss_sqrt, axis1=-2, axis2=-1))
    loss = loss / jnp.sqrt(jnp.asarray(n * s.shape[-1], dtype=jnp.float32))
    return (jax.nn.softmax(s, axis=-1), loss)

if __name__ == "__main__":
    import jax
    _d = setup_inputs()
    print(jax.jit(kernel)(*tuple(_d.values())))

</pallas_src>

<mosaic_0001>
#map = affine_map<(d0, d1) -> (0, 0)>
#map1 = affine_map<(d0, d1) -> (0, 0, 0)>
module attributes {stable_mosaic.version = 14 : i64} {
  func.func @k(%arg0: i32, %arg1: i32, %arg2: memref<10000x64xf32, #tpu.memory_space<hbm>>, %arg3: memref<1280x128xi32, #tpu.memory_space<hbm>>, %arg4: memref<1280x128xi32, #tpu.memory_space<hbm>>, %arg5: memref<1280x128xf32, #tpu.memory_space<hbm>>, %arg6: memref<2x10240x64xf32, #tpu.memory_space<hbm>>, %arg7: memref<40x128xi32, #tpu.memory_space<vmem>>, %arg8: memref<40x128xi32, #tpu.memory_space<vmem>>, %arg9: memref<40x128xf32, #tpu.memory_space<vmem>>, %arg10: memref<128x64xf32, #tpu.memory_space<vmem>>, %arg11: memref<10240x64xf32, #tpu.memory_space<vmem_shared>>, %arg12: memref<!tpu.dma_semaphore, #tpu.memory_space<semaphore_mem>>) attributes {dimension_semantics = [#tpu.dimension_semantics<core_parallel>, #tpu.dimension_semantics<subcore_parallel>], iteration_bounds = array<i64: 2, 16>, scalar_prefetch = 0 : i64, scratch_operands = 6 : i64, tpu.core_type = #tpu.core_type<sc_vector_subcore>, window_params = [{transform_indices = #map}, {transform_indices = #map}, {transform_indices = #map}, {transform_indices = #map}, {transform_indices = #map1}]} {
    %mul3A = arith.constant 2 : i32
    %mul3A_0 = arith.muli %arg1, %mul3A : i32
    %add3A = arith.addi %mul3A_0, %arg0 : i32
    %broadcast_in_dim3A = arith.constant 0.000000e+00 : f32
    %broadcast_in_dim3A_1 = vector.broadcast %broadcast_in_dim3A : f32 to vector<16xf32>
    %scan3A = arith.constant 0 : i32
    %scan3A_2 = arith.constant 0 : i32
    %scan3A_3 = arith.constant 128 : i32
    %scan3A_4 = arith.addi %scan3A_2, %scan3A_3 : i32
    %scan3A_5 = arith.constant 1 : i32
    scf.for %scan3A_28 = %scan3A_2 to %scan3A_4 step %scan3A_5  : i32 {
      %swap3A = arith.index_cast %scan3A_28 : i32 to index
      %swap3A_29 = arith.constant 0 : index
      %swap3A_30 = tpu.vector_load %arg10[%swap3A, %swap3A_29] {strides = array<i32>} : memref<128x64xf32, #tpu.memory_space<vmem>>, vector<1x16xf32>,
      %swap3A_31 = vector.shape_cast %swap3A_30 : vector<1x16xf32> to vector<16xf32>
      %swap3A_32 = vector.shape_cast %broadcast_in_dim3A_1 : vector<16xf32> to vector<1x16xf32>
      tpu.vector_store %arg10[%swap3A, %swap3A_29], %swap3A_32 {strides = array<i32>} : memref<128x64xf32, #tpu.memory_space<vmem>>, vector<1x16xf32>,
      %swap3A_33 = arith.index_cast %scan3A_28 : i32 to index
      %swap3A_34 = arith.constant 16 : index
      %swap3A_35 = tpu.vector_load %arg10[%swap3A_33, %swap3A_34] {strides = array<i32>} : memref<128x64xf32, #tpu.memory_space<vmem>>, vector<1x16xf32>,
      %swap3A_36 = vector.shape_cast %swap3A_35 : vector<1x16xf32> to vector<16xf32>
      %swap3A_37 = vector.shape_cast %broadcast_in_dim3A_1 : vector<16xf32> to vector<1x16xf32>
      tpu.vector_store %arg10[%swap3A_33, %swap3A_34], %swap3A_37 {strides = array<i32>} : memref<128x64xf32, #tpu.memory_space<vmem>>, vector<1x16xf32>,
      %swap3A_38 = arith.index_cast %scan3A_28 : i32 to index
      %swap3A_39 = arith.constant 32 : index
      %swap3A_40 = tpu.vector_load %arg10[%swap3A_38, %swap3A_39] {strides = array<i32>} : memref<128x64xf32, #tpu.memory_space<vmem>>, vector<1x16xf32>,
      %swap3A_41 = vector.shape_cast %swap3A_40 : vector<1x16xf32> to vector<16xf32>
      %swap3A_42 = vector.shape_cast %broadcast_in_dim3A_1 : vector<16xf32> to vector<1x16xf32>
      tpu.vector_store %arg10[%swap3A_38, %swap3A_39], %swap3A_42 {strides = array<i32>} : memref<128x64xf32, #tpu.memory_space<vmem>>, vector<1x16xf32>,
      %swap3A_43 = arith.index_cast %scan3A_28 : i32 to index
      %swap3A_44 = arith.constant 48 : index
      %swap3A_45 = tpu.vector_load %arg10[%swap3A_43, %swap3A_44] {strides = array<i32>} : memref<128x64xf32, #tpu.memory_space<vmem>>, vector<1x16xf32>,
      %swap3A_46 = vector.shape_cast %swap3A_45 : vector<1x16xf32> to vector<16xf32>
      %swap3A_47 = vector.shape_cast %broadcast_in_dim3A_1 : vector<16xf32> to vector<1x16xf32>
      tpu.vector_store %arg10[%swap3A_43, %swap3A_44], %swap3A_47 {strides = array<i32>} : memref<128x64xf32, #tpu.memory_space<vmem>>, vector<1x16xf32>,
    }
    %scan3A_6 = arith.constant 128 : i32
    %mul3A_7 = arith.constant 640 : i32
    %mul3A_8 = arith.muli %arg1, %mul3A_7 : i32
    %add3A_9 = arith.constant 0 : i32
    %add3A_10 = arith.addi %mul3A_8, %add3A_9 : i32
    "tpu.region"() ({
      %run_scoped3A = tpu.sem_alloc : memref<!tpu.dma_semaphore, #tpu.memory_space<semaphore_mem>>
      %dma_start3A = arith.constant 0 : i32
      %dma_start3A_28 = tpu.memref_slice %arg11[%add3A_10, %dma_start3A] : memref<10240x64xf32, #tpu.memory_space<vmem_shared>> -> memref<128x64xf32, #tpu.memory_space<vmem_shared>>
      %dma_start3A_29 = arith.constant 0 : i32
      %dma_start3A_30 = tpu.memref_slice %arg11[%add3A_10, %dma_start3A_29] : memref<10240x64xf32, #tpu.memory_space<vmem_shared>> -> memref<128x64xf32, #tpu.memory_space<vmem_shared>>
      tpu.enqueue_dma source(%arg10 : memref<128x64xf32, #tpu.memory_space<vmem>>) target(%dma_start3A_30 : memref<128x64xf32, #tpu.memory_space<vmem_shared>>) target_semaphore(%run_scoped3A : memref<!tpu.dma_semaphore, #tpu.memory_space<semaphore_mem>>)
      %dma_wait3A = arith.constant 0 : i32
      %dma_wait3A_31 = tpu.memref_slice %arg11[%add3A_10, %dma_wait3A] : memref<10240x64xf32, #tpu.memory_space<vmem_shared>> -> memref<128x64xf32, #tpu.memory_space<vmem_shared>>
      %dma_wait3A_32 = arith.constant 0 : i32
      %dma_wait3A_33 = tpu.memref_slice %arg11[%add3A_10, %dma_wait3A_32] : memref<10240x64xf32, #tpu.memory_space<vmem_shared>> -> memref<128x64xf32, #tpu.memory_space<vmem_shared>>
      tpu.wait_dma2 semaphore(%run_scoped3A : memref<!tpu.dma_semaphore, #tpu.memory_space<semaphore_mem>>) src(%arg10 : memref<128x64xf32, #tpu.memory_space<vmem>>) dst(%dma_wait3A_33 : memref<128x64xf32, #tpu.memory_space<vmem_shared>>)
      tpu.yield
    }) : () -> ()
    %add3A_11 = arith.constant 128 : i32
    %add3A_12 = arith.addi %mul3A_8, %add3A_11 : i32
    "tpu.region"() ({
      %run_scoped3A = tpu.sem_alloc : memref<!tpu.dma_semaphore, #tpu.memory_space<semaphore_mem>>
      %dma_start3A = arith.constant 0 : i32
      %dma_start3A_28 = tpu.memref_slice %arg11[%add3A_12, %dma_start3A] : memref<10240x64xf32, #tpu.memory_space<vmem_shared>> -> memref<128x64xf32, #tpu.memory_space<vmem_shared>>
      %dma_start3A_29 = arith.constant 0 : i32
      %dma_start3A_30 = tpu.memref_slice %arg11[%add3A_12, %dma_start3A_29] : memref<10240x64xf32, #tpu.memory_space<vmem_shared>> -> memref<128x64xf32, #tpu.memory_space<vmem_shared>>
      tpu.enqueue_dma source(%arg10 : memref<128x64xf32, #tpu.memory_space<vmem>>) target(%dma_start3A_30 : memref<128x64xf32, #tpu.memory_space<vmem_shared>>) target_semaphore(%run_scoped3A : memref<!tpu.dma_semaphore, #tpu.memory_space<semaphore_mem>>)
      %dma_wait3A = arith.constant 0 : i32
      %dma_wait3A_31 = tpu.memref_slice %arg11[%add3A_12, %dma_wait3A] : memref<10240x64xf32, #tpu.memory_space<vmem_shared>> -> memref<128x64xf32, #tpu.memory_space<vmem_shared>>
      %dma_wait3A_32 = arith.constant 0 : i32
      %dma_wait3A_33 = tpu.memref_slice %arg11[%add3A_12, %dma_wait3A_32] : memref<10240x64xf32, #tpu.memory_space<vmem_shared>> -> memref<128x64xf32, #tpu.memory_space<vmem_shared>>
      tpu.wait_dma2 semaphore(%run_scoped3A : memref<!tpu.dma_semaphore, #tpu.memory_space<semaphore_mem>>) src(%arg10 : memref<128x64xf32, #tpu.memory_space<vmem>>) dst(%dma_wait3A_33 : memref<128x64xf32, #tpu.memory_space<vmem_shared>>)
      tpu.yield
    }) : () -> ()
    %add3A_13 = arith.constant 256 : i32
    %add3A_14 = arith.addi %mul3A_8, %add3A_13 : i32
    "tpu.region"() ({
      %run_scoped3A = tpu.sem_alloc : memref<!tpu.dma_semaphore, #tpu.memory_space<semaphore_mem>>
      %dma_start3A = arith.constant 0 : i32
      %dma_start3A_28 = tpu.memref_slice %arg11[%add3A_14, %dma_start3A] : memref<10240x64xf32, #tpu.memory_space<vmem_shared>> -> memref<128x64xf32, #tpu.memory_space<vmem_shared>>
      %dma_start3A_29 = arith.constant 0 : i32
      %dma_start3A_30 = tpu.memref_slice %arg11[%add3A_14, %dma_start3A_29] : memref<10240x64xf32, #tpu.memory_space<vmem_shared>> -> memref<128x64xf32, #tpu.memory_space<vmem_shared>>
      tpu.enqueue_dma source(%arg10 : memref<128x64xf32, #tpu.memory_space<vmem>>) target(%dma_start3A_30 : memref<128x64xf32, #tpu.memory_space<vmem_shared>>) target_semaphore(%run_scoped3A : memref<!tpu.dma_semaphore, #tpu.memory_space<semaphore_mem>>)
      %dma_wait3A = arith.constant 0 : i32
      %dma_wait3A_31 = tpu.memref_slice %arg11[%add3A_14, %dma_wait3A] : memref<10240x64xf32, #tpu.memory_space<vmem_shared>> -> memref<128x64xf32, #tpu.memory_space<vmem_shared>>
      %dma_wait3A_32 = arith.constant 0 : i32
      %dma_wait3A_33 = tpu.memref_slice %arg11[%add3A_14, %dma_wait3A_32] : memref<10240x64xf32, #tpu.memory_space<vmem_shared>> -> memref<128x64xf32, #tpu.memory_space<vmem_shared>>
      tpu.wait_dma2 semaphore(%run_scoped3A : memref<!tpu.dma_semaphore, #tpu.memory_space<semaphore_mem>>) src(%arg10 : memref<128x64xf32, #tpu.memory_space<vmem>>) dst(%dma_wait3A_33 : memref<128x64xf32, #tpu.memory_space<vmem_shared>>)
      tpu.yield
    }) : () -> ()
    %add3A_15 = arith.constant 384 : i32
    %add3A_16 = arith.addi %mul3A_8, %add3A_15 : i32
    "tpu.region"() ({
      %run_scoped3A = tpu.sem_alloc : memref<!tpu.dma_semaphore, #tpu.memory_space<semaphore_mem>>
      %dma_start3A = arith.constant 0 : i32
      %dma_start3A_28 = tpu.memref_slice %arg11[%add3A_16, %dma_start3A] : memref<10240x64xf32, #tpu.memory_space<vmem_shared>> -> memref<128x64xf32, #tpu.memory_space<vmem_shared>>
      %dma_start3A_29 = arith.constant 0 : i32
      %dma_start3A_30 = tpu.memref_slice %arg11[%add3A_16, %dma_start3A_29] : memref<10240x64xf32, #tpu.memory_space<vmem_shared>> -> memref<128x64xf32, #tpu.memory_space<vmem_shared>>
      tpu.enqueue_dma source(%arg10 : memref<128x64xf32, #tpu.memory_space<vmem>>) target(%dma_start3A_30 : memref<128x64xf32, #tpu.memory_space<vmem_shared>>) target_semaphore(%run_scoped3A : memref<!tpu.dma_semaphore, #tpu.memory_space<semaphore_mem>>)
      %dma_wait3A = arith.constant 0 : i32
      %dma_wait3A_31 = tpu.memref_slice %arg11[%add3A_16, %dma_wait3A] : memref<10240x64xf32, #tpu.memory_space<vmem_shared>> -> memref<128x64xf32, #tpu.memory_space<vmem_shared>>
      %dma_wait3A_32 = arith.constant 0 : i32
      %dma_wait3A_33 = tpu.memref_slice %arg11[%add3A_16, %dma_wait3A_32] : memref<10240x64xf32, #tpu.memory_space<vmem_shared>> -> memref<128x64xf32, #tpu.memory_space<vmem_shared>>
      tpu.wait_dma2 semaphore(%run_scoped3A : memref<!tpu.dma_semaphore, #tpu.memory_space<semaphore_mem>>) src(%arg10 : memref<128x64xf32, #tpu.memory_space<vmem>>) dst(%dma_wait3A_33 : memref<128x64xf32, #tpu.memory_space<vmem_shared>>)
      tpu.yield
    }) : () -> ()
    %add3A_17 = arith.constant 512 : i32
    %add3A_18 = arith.addi %mul3A_8, %add3A_17 : i32
    "tpu.region"() ({
      %run_scoped3A = tpu.sem_alloc : memref<!tpu.dma_semaphore, #tpu.memory_space<semaphore_mem>>
      %dma_start3A = arith.constant 0 : i32
      %dma_start3A_28 = tpu.memref_slice %arg11[%add3A_18, %dma_start3A] : memref<10240x64xf32, #tpu.memory_space<vmem_shared>> -> memref<128x64xf32, #tpu.memory_space<vmem_shared>>
      %dma_start3A_29 = arith.constant 0 : i32
      %dma_start3A_30 = tpu.memref_slice %arg11[%add3A_18, %dma_start3A_29] : memref<10240x64xf32, #tpu.memory_space<vmem_shared>> -> memref<128x64xf32, #tpu.memory_space<vmem_shared>>
      tpu.enqueue_dma source(%arg10 : memref<128x64xf32, #tpu.memory_space<vmem>>) target(%dma_start3A_30 : memref<128x64xf32, #tpu.memory_space<vmem_shared>>) target_semaphore(%run_scoped3A : memref<!tpu.dma_semaphore, #tpu.memory_space<semaphore_mem>>)
      %dma_wait3A = arith.constant 0 : i32
      %dma_wait3A_31 = tpu.memref_slice %arg11[%add3A_18, %dma_wait3A] : memref<10240x64xf32, #tpu.memory_space<vmem_shared>> -> memref<128x64xf32, #tpu.memory_space<vmem_shared>>
      %dma_wait3A_32 = arith.constant 0 : i32
      %dma_wait3A_33 = tpu.memref_slice %arg11[%add3A_18, %dma_wait3A_32] : memref<10240x64xf32, #tpu.memory_space<vmem_shared>> -> memref<128x64xf32, #tpu.memory_space<vmem_shared>>
      tpu.wait_dma2 semaphore(%run_scoped3A : memref<!tpu.dma_semaphore, #tpu.memory_space<semaphore_mem>>) src(%arg10 : memref<128x64xf32, #tpu.memory_space<vmem>>) dst(%dma_wait3A_33 : memref<128x64xf32, #tpu.memory_space<vmem_shared>>)
      tpu.yield
    }) : () -> ()
    %barrier3A = arith.constant 0 : index
    tpu.barrier barrier_id(%barrier3A)
    %mul3A_19 = arith.constant 40 : i32
    %mul3A_20 = arith.muli %add3A, %mul3A_19 : i32
    "tpu.region"() ({
      %run_scoped3A = tpu.sem_alloc : memref<!tpu.dma_semaphore, #tpu.memory_space<semaphore_mem>>
      %dma_start3A = arith.constant 0 : i32
      %dma_start3A_28 = tpu.memref_slice %arg3[%mul3A_20, %dma_start3A] : memref<1280x128xi32, #tpu.memory_space<hbm>> -> memref<40x128xi32, #tpu.memory_space<hbm>>
      %dma_start3A_29 = arith.constant 0 : i32
      %dma_start3A_30 = tpu.memref_slice %arg3[%mul3A_20, %dma_start3A_29] : memref<1280x128xi32, #tpu.memory_space<hbm>> -> memref<40x128xi32, #tpu.memory_space<hbm>>
      tpu.enqueue_dma source(%dma_start3A_30 : memref<40x128xi32, #tpu.memory_space<hbm>>) target(%arg7 : memref<40x128xi32, #tpu.memory_space<vmem>>) target_semaphore(%run_scoped3A : memref<!tpu.dma_semaphore, #tpu.memory_space<semaphore_mem>>)
      %dma_wait3A = arith.constant 0 : i32
      %dma_wait3A_31 = tpu.memref_slice %arg3[%mul3A_20, %dma_wait3A] : memref<1280x128xi32, #tpu.memory_space<hbm>> -> memref<40x128xi32, #tpu.memory_space<hbm>>
      %dma_wait3A_32 = arith.constant 0 : i32
      %dma_wait3A_33 = tpu.memref_slice %arg3[%mul3A_20, %dma_wait3A_32] : memref<1280x128xi32, #tpu.memory_space<hbm>> -> memref<40x128xi32, #tpu.memory_space<hbm>>
      tpu.wait_dma2 semaphore(%run_scoped3A : memref<!tpu.dma_semaphore, #tpu.memory_space<semaphore_mem>>) src(%dma_wait3A_33 : memref<40x128xi32, #tpu.memory_space<hbm>>) dst(%arg7 : memref<40x128xi32, #tpu.memory_space<vmem>>)
      tpu.yield
    }) : () -> ()
    "tpu.region"() ({
      %run_scoped3A = tpu.sem_alloc : memref<!tpu.dma_semaphore, #tpu.memory_space<semaphore_mem>>
      %dma_start3A = arith.constant 0 : i32
      %dma_start3A_28 = tpu.memref_slice %arg4[%mul3A_20, %dma_start3A] : memref<1280x128xi32, #tpu.memory_space<hbm>> -> memref<40x128xi32, #tpu.memory_space<hbm>>
      %dma_start3A_29 = arith.constant 0 : i32
      %dma_start3A_30 = tpu.memref_slice %arg4[%mul3A_20, %dma_start3A_29] : memref<1280x128xi32, #tpu.memory_space<hbm>> -> memref<40x128xi32, #tpu.memory_space<hbm>>
      tpu.enqueue_dma source(%dma_start3A_30 : memref<40x128xi32, #tpu.memory_space<hbm>>) target(%arg8 : memref<40x128xi32, #tpu.memory_space<vmem>>) target_semaphore(%run_scoped3A : memref<!tpu.dma_semaphore, #tpu.memory_space<semaphore_mem>>)
      %dma_wait3A = arith.constant 0 : i32
      %dma_wait3A_31 = tpu.memref_slice %arg4[%mul3A_20, %dma_wait3A] : memref<1280x128xi32, #tpu.memory_space<hbm>> -> memref<40x128xi32, #tpu.memory_space<hbm>>
      %dma_wait3A_32 = arith.constant 0 : i32
      %dma_wait3A_33 = tpu.memref_slice %arg4[%mul3A_20, %dma_wait3A_32] : memref<1280x128xi32, #tpu.memory_space<hbm>> -> memref<40x128xi32, #tpu.memory_space<hbm>>
      tpu.wait_dma2 semaphore(%run_scoped3A : memref<!tpu.dma_semaphore, #tpu.memory_space<semaphore_mem>>) src(%dma_wait3A_33 : memref<40x128xi32, #tpu.memory_space<hbm>>) dst(%arg8 : memref<40x128xi32, #tpu.memory_space<vmem>>)
      tpu.yield
    }) : () -> ()
    "tpu.region"() ({
      %run_scoped3A = tpu.sem_alloc : memref<!tpu.dma_semaphore, #tpu.memory_space<semaphore_mem>>
      %dma_start3A = arith.constant 0 : i32
      %dma_start3A_28 = tpu.memref_slice %arg5[%mul3A_20, %dma_start3A] : memref<1280x128xf32, #tpu.memory_space<hbm>> -> memref<40x128xf32, #tpu.memory_space<hbm>>
      %dma_start3A_29 = arith.constant 0 : i32
      %dma_start3A_30 = tpu.memref_slice %arg5[%mul3A_20, %dma_start3A_29] : memref<1280x128xf32, #tpu.memory_space<hbm>> -> memref<40x128xf32, #tpu.memory_space<hbm>>
      tpu.enqueue_dma source(%dma_start3A_30 : memref<40x128xf32, #tpu.memory_space<hbm>>) target(%arg9 : memref<40x128xf32, #tpu.memory_space<vmem>>) target_semaphore(%run_scoped3A : memref<!tpu.dma_semaphore, #tpu.memory_space<semaphore_mem>>)
      %dma_wait3A = arith.constant 0 : i32
      %dma_wait3A_31 = tpu.memref_slice %arg5[%mul3A_20, %dma_wait3A] : memref<1280x128xf32, #tpu.memory_space<hbm>> -> memref<40x128xf32, #tpu.memory_space<hbm>>
      %dma_wait3A_32 = arith.constant 0 : i32
      %dma_wait3A_33 = tpu.memref_slice %arg5[%mul3A_20, %dma_wait3A_32] : memref<1280x128xf32, #tpu.memory_space<hbm>> -> memref<40x128xf32, #tpu.memory_space<hbm>>
      tpu.wait_dma2 semaphore(%run_scoped3A : memref<!tpu.dma_semaphore, #tpu.memory_space<semaphore_mem>>) src(%dma_wait3A_33 : memref<40x128xf32, #tpu.memory_space<hbm>>) dst(%arg9 : memref<40x128xf32, #tpu.memory_space<vmem>>)
      tpu.yield
    }) : () -> ()
    %scan3A_21 = arith.constant 0 : i32
    %scan3A_22 = arith.constant 0 : i32
    %scan3A_23 = arith.constant 40 : i32
    %scan3A_24 = arith.addi %scan3A_22, %scan3A_23 : i32
    %scan3A_25 = arith.constant 1 : i32
    scf.for %scan3A_28 = %scan3A_22 to %scan3A_24 step %scan3A_25  : i32 {
      %dma_start3A = arith.constant 0 : i32
      %dma_start3A_29 = tpu.memref_slice %arg7[%scan3A_28, %dma_start3A] : memref<40x128xi32, #tpu.memory_space<vmem>> -> memref<1x128xi32, #tpu.memory_space<vmem>>
      %dma_start3A_30 = tpu.memref_squeeze %dma_start3A_29 : memref<1x128xi32, #tpu.memory_space<vmem>> -> memref<128xi32, #tpu.memory_space<vmem>>
      %dma_start3A_31 = arith.constant 0 : i32
      %dma_start3A_32 = arith.constant 0 : i32
      %dma_start3A_33 = tpu.memref_slice %arg2[%dma_start3A_31, %dma_start3A_32] : memref<10000x64xf32, #tpu.memory_space<hbm>> -> memref<10000x64xf32, #tpu.memory_space<hbm>>
      tpu.enqueue_indirect_dma source(%dma_start3A_33 : memref<10000x64xf32, #tpu.memory_space<hbm>>) target(%arg10 : memref<128x64xf32, #tpu.memory_space<vmem>>) offsets(%dma_start3A_30 : memref<128xi32, #tpu.memory_space<vmem>>) semaphore(%arg12 : memref<!tpu.dma_semaphore, #tpu.memory_space<semaphore_mem>>)
      %dma_wait3A = arith.constant 0 : i32
      %dma_wait3A_34 = tpu.memref_slice %arg7[%scan3A_28, %dma_wait3A] : memref<40x128xi32, #tpu.memory_space<vmem>> -> memref<1x128xi32, #tpu.memory_space<vmem>>
      %dma_wait3A_35 = tpu.memref_squeeze %dma_wait3A_34 : memref<1x128xi32, #tpu.memory_space<vmem>> -> memref<128xi32, #tpu.memory_space<vmem>>
      %dma_wait3A_36 = arith.constant 0 : i32
      %dma_wait3A_37 = arith.constant 0 : i32
      %dma_wait3A_38 = tpu.memref_slice %arg2[%dma_wait3A_36, %dma_wait3A_37] : memref<10000x64xf32, #tpu.memory_space<hbm>> -> memref<10000x64xf32, #tpu.memory_space<hbm>>
      tpu.wait_indirect_dma semaphore(%arg12 : memref<!tpu.dma_semaphore, #tpu.memory_space<semaphore_mem>>) src(%dma_wait3A_38 : memref<10000x64xf32, #tpu.memory_space<hbm>>) dst(%arg10 : memref<128x64xf32, #tpu.memory_space<vmem>>)
      %scan3A_39 = arith.constant 0 : i32
      %scan3A_40 = arith.constant 0 : i32
      %scan3A_41 = arith.constant 8 : i32
      %scan3A_42 = arith.addi %scan3A_40, %scan3A_41 : i32
      %scan3A_43 = arith.constant 1 : i32
      scf.for %scan3A_45 = %scan3A_40 to %scan3A_42 step %scan3A_43  : i32 {
        %mul3A_46 = arith.constant 16 : i32
        %mul3A_47 = arith.muli %mul3A_46, %scan3A_45 : i32
        %get3A = arith.index_cast %scan3A_28 : i32 to index
        %get3A_48 = arith.index_cast %mul3A_47 : i32 to index
        %get3A_49 = tpu.vector_load %arg9[%get3A, %get3A_48] {strides = array<i32>} : memref<40x128xf32, #tpu.memory_space<vmem>>, vector<1x16xf32>,
        %get3A_50 = vector.shape_cast %get3A_49 : vector<1x16xf32> to vector<16xf32>
        %mul3A_51 = arith.constant 16 : i32
        %mul3A_52 = arith.muli %mul3A_51, %scan3A_45 : i32
        %add3A_53 = arith.constant 0 : i32
        %add3A_54 = arith.addi %mul3A_52, %add3A_53 : i32
        %slice3A = vector.extract_strided_slice %get3A_50 {offsets = [0], sizes = [1], strides = [1]} : vector<16xf32> to vector<1xf32>
        %squeeze3A = vector.extract %slice3A[0] : f32 from vector<1xf32>
        %get3A_55 = arith.index_cast %add3A_54 : i32 to index
        %get3A_56 = arith.constant 0 : index
        %get3A_57 = tpu.vector_load %arg10[%get3A_55, %get3A_56] {strides = array<i32>} : memref<128x64xf32, #tpu.memory_space<vmem>>, vector<1x16xf32>,
        %get3A_58 = vector.shape_cast %get3A_57 : vector<1x16xf32> to vector<16xf32>
        %mul3A_59 = vector.broadcast %squeeze3A : f32 to vector<16xf32>
        %mul3A_60 = arith.mulf %get3A_58, %mul3A_59 : vector<16xf32>
        %swap3A = arith.index_cast %add3A_54 : i32 to index
        %swap3A_61 = arith.constant 0 : index
        %swap3A_62 = tpu.vector_load %arg10[%swap3A, %swap3A_61] {strides = array<i32>} : memref<128x64xf32, #tpu.memory_space<vmem>>, vector<1x16xf32>,
        %swap3A_63 = vector.shape_cast %swap3A_62 : vector<1x16xf32> to vector<16xf32>
        %swap3A_64 = vector.shape_cast %mul3A_60 : vector<16xf32> to vector<1x16xf32>
        tpu.vector_store %arg10[%swap3A, %swap3A_61], %swap3A_64 {strides = array<i32>} : memref<128x64xf32, #tpu.memory_space<vmem>>, vector<1x16xf32>,
        %get3A_65 = arith.index_cast %add3A_54 : i32 to index
        %get3A_66 = arith.constant 16 : index
        %get3A_67 = tpu.vector_load %arg10[%get3A_65, %get3A_66] {strides = array<i32>} : memref<128x64xf32, #tpu.memory_space<vmem>>, vector<1x16xf32>,
        %get3A_68 = vector.shape_cast %get3A_67 : vector<1x16xf32> to vector<16xf32>
        %mul3A_69 = vector.broadcast %squeeze3A : f32 to vector<16xf32>
        %mul3A_70 = arith.mulf %get3A_68, %mul3A_69 : vector<16xf32>
        %swap3A_71 = arith.index_cast %add3A_54 : i32 to index
        %swap3A_72 = arith.constant 16 : index
        %swap3A_73 = tpu.vector_load %arg10[%swap3A_71, %swap3A_72] {strides = array<i32>} : memref<128x64xf32, #tpu.memory_space<vmem>>, vector<1x16xf32>,
        %swap3A_74 = vector.shape_cast %swap3A_73 : vector<1x16xf32> to vector<16xf32>
        %swap3A_75 = vector.shape_cast %mul3A_70 : vector<16xf32> to vector<1x16xf32>
        tpu.vector_store %arg10[%swap3A_71, %swap3A_72], %swap3A_75 {strides = array<i32>} : memref<128x64xf32, #tpu.memory_space<vmem>>, vector<1x16xf32>,
        %get3A_76 = arith.index_cast %add3A_54 : i32 to index
        %get3A_77 = arith.constant 32 : index
        %get3A_78 = tpu.vector_load %arg10[%get3A_76, %get3A_77] {strides = array<i32>} : memref<128x64xf32, #tpu.memory_space<vmem>>, vector<1x16xf32>,
        %get3A_79 = vector.shape_cast %get3A_78 : vector<1x16xf32> to vector<16xf32>
        %mul3A_80 = vector.broadcast %squeeze3A : f32 to vector<16xf32>
        %mul3A_81 = arith.mulf %get3A_79, %mul3A_80 : vector<16xf32>
        %swap3A_82 = arith.index_cast %add3A_54 : i32 to index
        %swap3A_83 = arith.constant 32 : index
        %swap3A_84 = tpu.vector_load %arg10[%swap3A_82, %swap3A_83] {strides = array<i32>} : memref<128x64xf32, #tpu.memory_space<vmem>>, vector<1x16xf32>,
        %swap3A_85 = vector.shape_cast %swap3A_84 : vector<1x16xf32> to vector<16xf32>
        %swap3A_86 = vector.shape_cast %mul3A_81 : vector<16xf32> to vector<1x16xf32>
        tpu.vector_store %arg10[%swap3A_82, %swap3A_83], %swap3A_86 {strides = array<i32>} : memref<128x64xf32, #tpu.memory_space<vmem>>, vector<1x16xf32>,
        %get3A_87 = arith.index_cast %add3A_54 : i32 to index
        %get3A_88 = arith.constant 48 : index
        %get3A_89 = tpu.vector_load %arg10[%get3A_87, %get3A_88] {strides = array<i32>} : memref<128x64xf32, #tpu.memory_space<vmem>>, vector<1x16xf32>,
        %get3A_90 = vector.shape_cast %get3A_89 : vector<1x16xf32> to vector<16xf32>
        %mul3A_91 = vector.broadcast %squeeze3A : f32 to vector<16xf32>
        %mul3A_92 = arith.mulf %get3A_90, %mul3A_91 : vector<16xf32>
        %swap3A_93 = arith.index_cast %add3A_54 : i32 to index
        %swap3A_94 = arith.constant 48 : index
        %swap3A_95 = tpu.vector_load %arg10[%swap3A_93, %swap3A_94] {strides = array<i32>} : memref<128x64xf32, #tpu.memory_space<vmem>>, vector<1x16xf32>,
        %swap3A_96 = vector.shape_cast %swap3A_95 : vector<1x16xf32> to vector<16xf32>
        %swap3A_97 = vector.shape_cast %mul3A_92 : vector<16xf32> to vector<1x16xf32>
        tpu.vector_store %arg10[%swap3A_93, %swap3A_94], %swap3A_97 {strides = array<i32>} : memref<128x64xf32, #tpu.memory_space<vmem>>, vector<1x16xf32>,
        %mul3A_98 = arith.constant 16 : i32
        %mul3A_99 = arith.muli %mul3A_98, %scan3A_45 : i32
        %add3A_100 = arith.constant 1 : i32
        %add3A_101 = arith.addi %mul3A_99, %add3A_100 : i32
        %slice3A_102 = vector.extract_strided_slice %get3A_50 {offsets = [1], sizes = [1], strides = [1]} : vector<16xf32> to vector<1xf32>
        %squeeze3A_103 = vector.extract %slice3A_102[0] : f32 from vector<1xf32>
        %get3A_104 = arith.index_cast %add3A_101 : i32 to index
        %get3A_105 = arith.constant 0 : index
        %get3A_106 = tpu.vector_load %arg10[%get3A_104, %get3A_105] {strides = array<i32>} : memref<128x64xf32, #tpu.memory_space<vmem>>, vector<1x16xf32>,
        %get3A_107 = vector.shape_cast %get3A_106 : vector<1x16xf32> to vector<16xf32>
        %mul3A_108 = vector.broadcast %squeeze3A_103 : f32 to vector<16xf32>
        %mul3A_109 = arith.mulf %get3A_107, %mul3A_108 : vector<16xf32>
        %swap3A_110 = arith.index_cast %add3A_101 : i32 to index
        %swap3A_111 = arith.constant 0 : index
        %swap3A_112 = tpu.vector_load %arg10[%swap3A_110, %swap3A_111] {strides = array<i32>} : memref<128x64xf32, #tpu.memory_space<vmem>>, vector<1x16xf32>,
        %swap3A_113 = vector.shape_cast %swap3A_112 : vector<1x16xf32> to vector<16xf32>
        %swap3A_114 = vector.shape_cast %mul3A_109 : vector<16xf32> to vector<1x16xf32>
        tpu.vector_store %arg10[%swap3A_110, %swap3A_111], %swap3A_114 {strides = array<i32>} : memref<128x64xf32, #tpu.memory_space<vmem>>, vector<1x16xf32>,
        %get3A_115 = arith.index_cast %add3A_101 : i32 to index
        %get3A_116 = arith.constant 16 : index
        %get3A_117 = tpu.vector_load %arg10[%get3A_115, %get3A_116] {strides = array<i32>} : memref<128x64xf32, #tpu.memory_space<vmem>>, vector<1x16xf32>,
        %get3A_118 = vector.shape_cast %get3A_117 : vector<1x16xf32> to vector<16xf32>
        %mul3A_119 = vector.broadcast %squeeze3A_103 : f32 to vector<16xf32>
        %mul3A_120 = arith.mulf %get3A_118, %mul3A_119 : vector<16xf32>
        %swap3A_121 = arith.index_cast %add3A_101 : i32 to index
        %swap3A_122 = arith.constant 16 : index
        %swap3A_123 = tpu.vector_load %arg10[%swap3A_121, %swap3A_122] {strides = array<i32>} : memref<128x64xf32, #tpu.memory_space<vmem>>, vector<1x16xf32>,
        %swap3A_124 = vector.shape_cast %swap3A_123 : vector<1x16xf32> to vector<16xf32>
        %swap3A_125 = vector.shape_cast %mul3A_120 : vector<16xf32> to vector<1x16xf32>
        tpu.vector_store %arg10[%swap3A_121, %swap3A_122], %swap3A_125 {strides = array<i32>} : memref<128x64xf32, #tpu.memory_space<vmem>>, vector<1x16xf32>,
        %get3A_126 = arith.index_cast %add3A_101 : i32 to index
        %get3A_127 = arith.constant 32 : index
        %get3A_128 = tpu.vector_load %arg10[%get3A_126, %get3A_127] {strides = array<i32>} : memref<128x64xf32, #tpu.memory_space<vmem>>, vector<1x16xf32>,
        %get3A_129 = vector.shape_cast %get3A_128 : vector<1x16xf32> to vector<16xf32>
        %mul3A_130 = vector.broadcast %squeeze3A_103 : f32 to vector<16xf32>
        %mul3A_131 = arith.mulf %get3A_129, %mul3A_130 : vector<16xf32>
        %swap3A_132 = arith.index_cast %add3A_101 : i32 to index
        %swap3A_133 = arith.constant 32 : index
        %swap3A_134 = tpu.vector_load %arg10[%swap3A_132, %swap3A_133] {strides = array<i32>} : memref<128x64xf32, #tpu.memory_space<vmem>>, vector<1x16xf32>,
        %swap3A_135 = vector.shape_cast %swap3A_134 : vector<1x16xf32> to vector<16xf32>
        %swap3A_136 = vector.shape_cast %mul3A_131 : vector<16xf32> to vector<1x16xf32>
        tpu.vector_store %arg10[%swap3A_132, %swap3A_133], %swap3A_136 {strides = array<i32>} : memref<128x64xf32, #tpu.memory_space<vmem>>, vector<1x16xf32>,
        %get3A_137 = arith.index_cast %add3A_101 : i32 to index
        %get3A_138 = arith.constant 48 : index
        %get3A_139 = tpu.vector_load %arg10[%get3A_137, %get3A_138] {strides = array<i32>} : memref<128x64xf32, #tpu.memory_space<vmem>>, vector<1x16xf32>,
        %get3A_140 = vector.shape_cast %get3A_139 : vector<1x16xf32> to vector<16xf32>
        %mul3A_141 = vector.broadcast %squeeze3A_103 : f32 to vector<16xf32>
        %mul3A_142 = arith.mulf %get3A_140, %mul3A_141 : vector<16xf32>
        %swap3A_143 = arith.index_cast %add3A_101 : i32 to index
        %swap3A_144 = arith.constant 48 : index
        %swap3A_145 = tpu.vector_load %arg10[%swap3A_143, %swap3A_144] {strides = array<i32>} : memref<128x64xf32, #tpu.memory_space<vmem>>, vector<1x16xf32>,
        %swap3A_146 = vector.shape_cast %swap3A_145 : vector<1x16xf32> to vector<16xf32>
        %swap3A_147 = vector.shape_cast %mul3A_142 : vector<16xf32> to vector<1x16xf32>
        tpu.vector_store %arg10[%swap3A_143, %swap3A_144], %swap3A_147 {strides = array<i32>} : memref<128x64xf32, #tpu.memory_space<vmem>>, vector<1x16xf32>,
        %mul3A_148 = arith.constant 16 : i32
        %mul3A_149 = arith.muli %mul3A_148, %scan3A_45 : i32
        %add3A_150 = arith.constant 2 : i32
        %add3A_151 = arith.addi %mul3A_149, %add3A_150 : i32
        %slice3A_152 = vector.extract_strided_slice %get3A_50 {offsets = [2], sizes = [1], strides = [1]} : vector<16xf32> to vector<1xf32>
        %squeeze3A_153 = vector.extract %slice3A_152[0] : f32 from vector<1xf32>
        %get3A_154 = arith.index_cast %add3A_151 : i32 to index
        %get3A_155 = arith.constant 0 : index
        %get3A_156 = tpu.vector_load %arg10[%get3A_154, %get3A_155] {strides = array<i32>} : memref<128x64xf32, #tpu.memory_space<vmem>>, vector<1x16xf32>,
        %get3A_157 = vector.shape_cast %get3A_156 : vector<1x16xf32> to vector<16xf32>
        %mul3A_158 = vector.broadcast %squeeze3A_153 : f32 to vector<16xf32>
        %mul3A_159 = arith.mulf %get3A_157, %mul3A_158 : vector<16xf32>
        %swap3A_160 = arith.index_cast %add3A_151 : i32 to index
        %swap3A_161 = arith.constant 0 : index
        %swap3A_162 = tpu.vector_load %arg10[%swap3A_160, %swap3A_161] {strides = array<i32>} : memref<128x64xf32, #tpu.memory_space<vmem>>, vector<1x16xf32>,
        %swap3A_163 = vector.shape_cast %swap3A_162 : vector<1x16xf32> to vector<16xf32>
        %swap3A_164 = vector.shape_cast %mul3A_159 : vector<16xf32> to vector<1x16xf32>
        tpu.vector_store %arg10[%swap3A_160, %swap3A_161], %swap3A_164 {strides = array<i32>} : memref<128x64xf32, #tpu.memory_space<vmem>>, vector<1x16xf32>,
        %get3A_165 = arith.index_cast %add3A_151 : i32 to index
        %get3A_166 = arith.constant 16 : index
        %get3A_167 = tpu.vector_load %arg10[%get3A_165, %get3A_166] {strides = array<i32>} : memref<128x64xf32, #tpu.memory_space<vmem>>, vector<1x16xf32>,
        %get3A_168 = vector.shape_cast %get3A_167 : vector<1x16xf32> to vector<16xf32>
        %mul3A_169 = vector.broadcast %squeeze3A_153 : f32 to vector<16xf32>
        %mul3A_170 = arith.mulf %get3A_168, %mul3A_169 : vector<16xf32>
        %swap3A_171 = arith.index_cast %add3A_151 : i32 to index
        %swap3A_172 = arith.constant 16 : index
        %swap3A_173 = tpu.vector_load %arg10[%swap3A_171, %swap3A_172] {strides = array<i32>} : memref<128x64xf32, #tpu.memory_space<vmem>>, vector<1x16xf32>,
        %swap3A_174 = vector.shape_cast %swap3A_173 : vector<1x16xf32> to vector<16xf32>
        %swap3A_175 = vector.shape_cast %mul3A_170 : vector<16xf32> to vector<1x16xf32>
        tpu.vector_store %arg10[%swap3A_171, %swap3A_172], %swap3A_175 {strides = array<i32>} : memref<128x64xf32, #tpu.memory_space<vmem>>, vector<1x16xf32>,
        %get3A_176 = arith.index_cast %add3A_151 : i32 to index
        %get3A_177 = arith.constant 32 : index
        %get3A_178 = tpu.vector_load %arg10[%get3A_176, %get3A_177] {strides = array<i32>} : memref<128x64xf32, #tpu.memory_space<vmem>>, vector<1x16xf32>,
        %get3A_179 = vector.shape_cast %get3A_178 : vector<1x16xf32> to vector<16xf32>
        %mul3A_180 = vector.broadcast %squeeze3A_153 : f32 to vector<16xf32>
        %mul3A_181 = arith.mulf %get3A_179, %mul3A_180 : vector<16xf32>
        %swap3A_182 = arith.index_cast %add3A_151 : i32 to index
        %swap3A_183 = arith.constant 32 : index
        %swap3A_184 = tpu.vector_load %arg10[%swap3A_182, %swap3A_183] {strides = array<i32>} : memref<128x64xf32, #tpu.memory_space<vmem>>, vector<1x16xf32>,
        %swap3A_185 = vector.shape_cast %swap3A_184 : vector<1x16xf32> to vector<16xf32>
        %swap3A_186 = vector.shape_cast %mul3A_181 : vector<16xf32> to vector<1x16xf32>
        tpu.vector_store %arg10[%swap3A_182, %swap3A_183], %swap3A_186 {strides = array<i32>} : memref<128x64xf32, #tpu.memory_space<vmem>>, vector<1x16xf32>,
        %get3A_187 = arith.index_cast %add3A_151 : i32 to index
        %get3A_188 = arith.constant 48 : index
        %get3A_189 = tpu.vector_load %arg10[%get3A_187, %get3A_188] {strides = array<i32>} : memref<128x64xf32, #tpu.memory_space<vmem>>, vector<1x16xf32>,
        %get3A_190 = vector.shape_cast %get3A_189 : vector<1x16xf32> to vector<16xf32>
        %mul3A_191 = vector.broadcast %squeeze3A_153 : f32 to vector<16xf32>
        %mul3A_192 = arith.mulf %get3A_190, %mul3A_191 : vector<16xf32>
        %swap3A_193 = arith.index_cast %add3A_151 : i32 to index
        %swap3A_194 = arith.constant 48 : index
        %swap3A_195 = tpu.vector_load %arg10[%swap3A_193, %swap3A_194] {strides = array<i32>} : memref<128x64xf32, #tpu.memory_space<vmem>>, vector<1x16xf32>,
        %swap3A_196 = vector.shape_cast %swap3A_195 : vector<1x16xf32> to vector<16xf32>
        %swap3A_197 = vector.shape_cast %mul3A_192 : vector<16xf32> to vector<1x16xf32>
        tpu.vector_store %arg10[%swap3A_193, %swap3A_194], %swap3A_197 {strides = array<i32>} : memref<128x64xf32, #tpu.memory_space<vmem>>, vector<1x16xf32>,
        %mul3A_198 = arith.constant 16 : i32
        %mul3A_199 = arith.muli %mul3A_198, %scan3A_45 : i32
        %add3A_200 = arith.constant 3 : i32
        %add3A_201 = arith.addi %mul3A_199, %add3A_200 : i32
        %slice3A_202 = vector.extract_strided_slice %get3A_50 {offsets = [3], sizes = [1], strides = [1]} : vector<16xf32> to vector<1xf32>
        %squeeze3A_203 = vector.extract %slice3A_202[0] : f32 from vector<1xf32>
        %get3A_204 = arith.index_cast %add3A_201 : i32 to index
        %get3A_205 = arith.constant 0 : index
        %get3A_206 = tpu.vector_load %arg10[%get3A_204, %get3A_205] {strides = array<i32>} : memref<128x64xf32, #tpu.memory_space<vmem>>, vector<1x16xf32>,
        %get3A_207 = vector.shape_cast %get3A_206 : vector<1x16xf32> to vector<16xf32>
        %mul3A_208 = vector.broadcast %squeeze3A_203 : f32 to vector<16xf32>
        %mul3A_209 = arith.mulf %get3A_207, %mul3A_208 : vector<16xf32>
        %swap3A_210 = arith.index_cast %add3A_201 : i32 to index
        %swap3A_211 = arith.constant 0 : index
        %swap3A_212 = tpu.vector_load %arg10[%swap3A_210, %swap3A_211] {strides = array<i32>} : memref<128x64xf32, #tpu.memory_space<vmem>>, vector<1x16xf32>,
        %swap3A_213 = vector.shape_cast %swap3A_212 : vector<1x16xf32> to vector<16xf32>
        %swap3A_214 = vector.shape_cast %mul3A_209 : vector<16xf32> to vector<1x16xf32>
        tpu.vector_store %arg10[%swap3A_210, %swap3A_211], %swap3A_214 {strides = array<i32>} : memref<128x64xf32, #tpu.memory_space<vmem>>, vector<1x16xf32>,
        %get3A_215 = arith.index_cast %add3A_201 : i32 to index
        %get3A_216 = arith.constant 16 : index
        %get3A_217 = tpu.vector_load %arg10[%get3A_215, %get3A_216] {strides = array<i32>} : memref<128x64xf32, #tpu.memory_space<vmem>>, vector<1x16xf32>,
        %get3A_218 = vector.shape_cast %get3A_217 : vector<1x16xf32> to vector<16xf32>
        %mul3A_219 = vector.broadcast %squeeze3A_203 : f32 to vector<16xf32>
        %mul3A_220 = arith.mulf %get3A_218, %mul3A_219 : vector<16xf32>
        %swap3A_221 = arith.index_cast %add3A_201 : i32 to index
        %swap3A_222 = arith.constant 16 : index
        %swap3A_223 = tpu.vector_load %arg10[%swap3A_221, %swap3A_222] {strides = array<i32>} : memref<128x64xf32, #tpu.memory_space<vmem>>, vector<1x16xf32>,
        %swap3A_224 = vector.shape_cast %swap3A_223 : vector<1x16xf32> to vector<16xf32>
        %swap3A_225 = vector.shape_cast %mul3A_220 : vector<16xf32> to vector<1x16xf32>
        tpu.vector_store %arg10[%swap3A_221, %swap3A_222], %swap3A_225 {strides = array<i32>} : memref<128x64xf32, #tpu.memory_space<vmem>>, vector<1x16xf32>,
        %get3A_226 = arith.index_cast %add3A_201 : i32 to index
        %get3A_227 = arith.constant 32 : index
        %get3A_228 = tpu.vector_load %arg10[%get3A_226, %get3A_227] {strides = array<i32>} : memref<128x64xf32, #tpu.memory_space<vmem>>, vector<1x16xf32>,
        %get3A_229 = vector.shape_cast %get3A_228 : vector<1x16xf32> to vector<16xf32>
        %mul3A_230 = vector.broadcast %squeeze3A_203 : f32 to vector<16xf32>
        %mul3A_231 = arith.mulf %get3A_229, %mul3A_230 : vector<16xf32>
        %swap3A_232 = arith.index_cast %add3A_201 : i32 to index
        %swap3A_233 = arith.constant 32 : index
        %swap3A_234 = tpu.vector_load %arg10[%swap3A_232, %swap3A_233] {strides = array<i32>} : memref<128x64xf32, #tpu.memory_space<vmem>>, vector<1x16xf32>,
        %swap3A_235 = vector.shape_cast %swap3A_234 : vector<1x16xf32> to vector<16xf32>
        %swap3A_236 = vector.shape_cast %mul3A_231 : vector<16xf32> to vector<1x16xf32>
        tpu.vector_store %arg10[%swap3A_232, %swap3A_233], %swap3A_236 {strides = array<i32>} : memref<128x64xf32, #tpu.memory_space<vmem>>, vector<1x16xf32>,
        %get3A_237 = arith.index_cast %add3A_201 : i32 to index
        %get3A_238 = arith.constant 48 : index
        %get3A_239 = tpu.vector_load %arg10[%get3A_237, %get3A_238] {strides = array<i32>} : memref<128x64xf32, #tpu.memory_space<vmem>>, vector<1x16xf32>,
        %get3A_240 = vector.shape_cast %get3A_239 : vector<1x16xf32> to vector<16xf32>
        %mul3A_241 = vector.broadcast %squeeze3A_203 : f32 to vector<16xf32>
        %mul3A_242 = arith.mulf %get3A_240, %mul3A_241 : vector<16xf32>
        %swap3A_243 = arith.index_cast %add3A_201 : i32 to index
        %swap3A_244 = arith.constant 48 : index
        %swap3A_245 = tpu.vector_load %arg10[%swap3A_243, %swap3A_244] {strides = array<i32>} : memref<128x64xf32, #tpu.memory_space<vmem>>, vector<1x16xf32>,
        %swap3A_246 = vector.shape_cast %swap3A_245 : vector<1x16xf32> to vector<16xf32>
        %swap3A_247 = vector.shape_cast %mul3A_242 : vector<16xf32> to vector<1x16xf32>
        tpu.vector_store %arg10[%swap3A_243, %swap3A_244], %swap3A_247 {strides = array<i32>} : memref<128x64xf32, #tpu.memory_space<vmem>>, vector<1x16xf32>,
        %mul3A_248 = arith.constant 16 : i32
        %mul3A_249 = arith.muli %mul3A_248, %scan3A_45 : i32
        %add3A_250 = arith.constant 4 : i32
        %add3A_251 = arith.addi %mul3A_249, %add3A_250 : i32
        %slice3A_252 = vector.extract_strided_slice %get3A_50 {offsets = [4], sizes = [1], strides = [1]} : vector<16xf32> to vector<1xf32>
        %squeeze3A_253 = vector.extract %slice3A_252[0] : f32 from vector<1xf32>
        %get3A_254 = arith.index_cast %add3A_251 : i32 to index
        %get3A_255 = arith.constant 0 : index
        %get3A_256 = tpu.vector_load %arg10[%get3A_254, %get3A_255] {strides = array<i32>} : memref<128x64xf32, #tpu.memory_space<vmem>>, vector<1x16xf32>,
        %get3A_257 = vector.shape_cast %get3A_256 : vector<1x16xf32> to vector<16xf32>
        %mul3A_258 = vector.broadcast %squeeze3A_253 : f32 to vector<16xf32>
        %mul3A_259 = arith.mulf %get3A_257, %mul3A_258 : vector<16xf32>
        %swap3A_260 = arith.index_cast %add3A_251 : i32 to index
        %swap3A_261 = arith.constant 0 : index
        %swap3A_262 = tpu.vector_load %arg10[%swap3A_260, %swap3A_261] {strides = array<i32>} : memref<128x64xf32, #tpu.memory_space<vmem>>, vector<1x16xf32>,
        %swap3A_263 = vector.shape_cast %swap3A_262 : vector<1x16xf32> to vector<16xf32>
        %swap3A_264 = vector.shape_cast %mul3A_259 : vector<16xf32> to vector<1x16xf32>
        tpu.vector_store %arg10[%swap3A_260, %swap3A_261], %swap3A_264 {strides = array<i32>} : memref<128x64xf32, #tpu.memory_space<vmem>>, vector<1x16xf32>,
        %get3A_265 = arith.index_cast %add3A_251 : i32 to index
        %get3A_266 = arith.constant 16 : index
        %get3A_267 = tpu.vector_load %arg10[%get3A_265, %get3A_266] {strides = array<i32>} : memref<128x64xf32, #tpu.memory_space<vmem>>, vector<1x16xf32>,
        %get3A_268 = vector.shape_cast %get3A_267 : vector<1x16xf32> to vector<16xf32>
        %mul3A_269 = vector.broadcast %squeeze3A_253 : f32 to vector<16xf32>
        %mul3A_270 = arith.mulf %get3A_268, %mul3A_269 : vector<16xf32>
        %swap3A_271 = arith.index_cast %add3A_251 : i32 to index
        %swap3A_272 = arith.constant 16 : index
        %swap3A_273 = tpu.vector_load %arg10[%swap3A_271, %swap3A_272] {strides = array<i32>} : memref<128x64xf32, #tpu.memory_space<vmem>>, vector<1x16xf32>,
        %swap3A_274 = vector.shape_cast %swap3A_273 : vector<1x16xf32> to vector<16xf32>
        %swap3A_275 = vector.shape_cast %mul3A_270 : vector<16xf32> to vector<1x16xf32>
        tpu.vector_store %arg10[%swap3A_271, %swap3A_272], %swap3A_275 {strides = array<i32>} : memref<128x64xf32, #tpu.memory_space<vmem>>, vector<1x16xf32>,
        %get3A_276 = arith.index_cast %add3A_251 : i32 to index
        %get3A_277 = arith.constant 32 : index
        %get3A_278 = tpu.vector_load %arg10[%get3A_276, %get3A_277] {strides = array<i32>} : memref<128x64xf32, #tpu.memory_space<vmem>>, vector<1x16xf32>,
        %get3A_279 = vector.shape_cast %get3A_278 : vector<1x16xf32> to vector<16xf32>
        %mul3A_280 = vector.broadcast %squeeze3A_253 : f32 to vector<16xf32>
        %mul3A_281 = arith.mulf %get3A_279, %mul3A_280 : vector<16xf32>
        %swap3A_282 = arith.index_cast %add3A_251 : i32 to index
        %swap3A_283 = arith.constant 32 : index
        %swap3A_284 = tpu.vector_load %arg10[%swap3A_282, %swap3A_283] {strides = array<i32>} : memref<128x64xf32, #tpu.memory_space<vmem>>, vector<1x16xf32>,
        %swap3A_285 = vector.shape_cast %swap3A_284 : vector<1x16xf32> to vector<16xf32>
        %swap3A_286 = vector.shape_cast %mul3A_281 : vector<16xf32> to vector<1x16xf32>
        tpu.vector_store %arg10[%swap3A_282, %swap3A_283], %swap3A_286 {strides = array<i32>} : memref<128x64xf32, #tpu.memory_space<vmem>>, vector<1x16xf32>,
        %get3A_287 = arith.index_cast %add3A_251 : i32 to index
        %get3A_288 = arith.constant 48 : index
        %get3A_289 = tpu.vector_load %arg10[%get3A_287, %get3A_288] {strides = array<i32>} : memref<128x64xf32, #tpu.memory_space<vmem>>, vector<1x16xf32>,
        %get3A_290 = vector.shape_cast %get3A_289 : vector<1x16xf32> to vector<16xf32>
        %mul3A_291 = vector.broadcast %squeeze3A_253 : f32 to vector<16xf32>
        %mul3A_292 = arith.mulf %get3A_290, %mul3A_291 : vector<16xf32>
        %swap3A_293 = arith.index_cast %add3A_251 : i32 to index
        %swap3A_294 = arith.constant 48 : index
        %swap3A_295 = tpu.vector_load %arg10[%swap3A_293, %swap3A_294] {strides = array<i32>} : memref<128x64xf32, #tpu.memory_space<vmem>>, vector<1x16xf32>,
        %swap3A_296 = vector.shape_cast %swap3A_295 : vector<1x16xf32> to vector<16xf32>
        %swap3A_297 = vector.shape_cast %mul3A_292 : vector<16xf32> to vector<1x16xf32>
        tpu.vector_store %arg10[%swap3A_293, %swap3A_294], %swap3A_297 {strides = array<i32>} : memref<128x64xf32, #tpu.memory_space<vmem>>, vector<1x16xf32>,
        %mul3A_298 = arith.constant 16 : i32
        %mul3A_299 = arith.muli %mul3A_298, %scan3A_45 : i32
        %add3A_300 = arith.constant 5 : i32
        %add3A_301 = arith.addi %mul3A_299, %add3A_300 : i32
        %slice3A_302 = vector.extract_strided_slice %get3A_50 {offsets = [5], sizes = [1], strides = [1]} : vector<16xf32> to vector<1xf32>
        %squeeze3A_303 = vector.extract %slice3A_302[0] : f32 from vector<1xf32>
        %get3A_304 = arith.index_cast %add3A_301 : i32 to index
        %get3A_305 = arith.constant 0 : index
        %get3A_306 = tpu.vector_load %arg10[%get3A_304, %get3A_305] {strides = array<i32>} : memref<128x64xf32, #tpu.memory_space<vmem>>, vector<1x16xf32>,
        %get3A_307 = vector.shape_cast %get3A_306 : vector<1x16xf32> to vector<16xf32>
        %mul3A_308 = vector.broadcast %squeeze3A_303 : f32 to vector<16xf32>
        %mul3A_309 = arith.mulf %get3A_307, %mul3A_308 : vector<16xf32>
        %swap3A_310 = arith.index_cast %add3A_301 : i32 to index
        %swap3A_311 = arith.constant 0 : index
        %swap3A_312 = tpu.vector_load %arg10[%swap3A_310, %swap3A_311] {strides = array<i32>} : memref<128x64xf32, #tpu.memory_space<vmem>>, vector<1x16xf32>,
        %swap3A_313 = vector.shape_cast %swap3A_312 : vector<1x16xf32> to vector<16xf32>
        %swap3A_314 = vector.shape_cast %mul3A_309 : vector<16xf32> to vector<1x16xf32>
        tpu.vector_store %arg10[%swap3A_310, %swap3A_311], %swap3A_314 {strides = array<i32>} : memref<128x64xf32, #tpu.memory_space<vmem>>, vector<1x16xf32>,
        %get3A_315 = arith.index_cast %add3A_301 : i32 to index
        %get3A_316 = arith.constant 16 : index
        %get3A_317 = tpu.vector_load %arg10[%get3A_315, %get3A_316] {strides = array<i32>} : memref<128x64xf32, #tpu.memory_space<vmem>>, vector<1x16xf32>,
        %get3A_318 = vector.shape_cast %get3A_317 : vector<1x16xf32> to vector<16xf32>
        %mul3A_319 = vector.broadcast %squeeze3A_303 : f32 to vector<16xf32>
        %mul3A_320 = arith.mulf %get3A_318, %mul3A_319 : vector<16xf32>
        %swap3A_321 = arith.index_cast %add3A_301 : i32 to index
        %swap3A_322 = arith.constant 16 : index
        %swap3A_323 = tpu.vector_load %arg10[%swap3A_321, %swap3A_322] {strides = array<i32>} : memref<128x64xf32, #tpu.memory_space<vmem>>, vector<1x16xf32>,
        %swap3A_324 = vector.shape_cast %swap3A_323 : vector<1x16xf32> to vector<16xf32>
        %swap3A_325 = vector.shape_cast %mul3A_320 : vector<16xf32> to vector<1x16xf32>
        tpu.vector_store %arg10[%swap3A_321, %swap3A_322], %swap3A_325 {strides = array<i32>} : memref<128x64xf32, #tpu.memory_space<vmem>>, vector<1x16xf32>,
        %get3A_326 = arith.index_cast %add3A_301 : i32 to index
        %get3A_327 = arith.constant 32 : index
        %get3A_328 = tpu.vector_load %arg10[%get3A_326, %get3A_327] {strides = array<i32>} : memref<128x64xf32, #tpu.memory_space<vmem>>, vector<1x16xf32>,
        %get3A_329 = vector.shape_cast %get3A_328 : vector<1x16xf32> to vector<16xf32>
        %mul3A_330 = vector.broadcast %squeeze3A_303 : f32 to vector<16xf32>
        %mul3A_331 = arith.mulf %get3A_329, %mul3A_330 : vector<16xf32>
        %swap3A_332 = arith.index_cast %add3A_301 : i32 to index
        %swap3A_333 = arith.constant 32 : index
        %swap3A_334 = tpu.vector_load %arg10[%swap3A_332, %swap3A_333] {strides = array<i32>} : memref<128x64xf32, #tpu.memory_space<vmem>>, vector<1x16xf32>,
        %swap3A_335 = vector.shape_cast %swap3A_334 : vector<1x16xf32> to vector<16xf32>
        %swap3A_336 = vector.shape_cast %mul3A_331 : vector<16xf32> to vector<1x16xf32>
        tpu.vector_store %arg10[%swap3A_332, %swap3A_333], %swap3A_336 {strides = array<i32>} : memref<128x64xf32, #tpu.memory_space<vmem>>, vector<1x16xf32>,
        %get3A_337 = arith.index_cast %add3A_301 : i32 to index
        %get3A_338 = arith.constant 48 : index
        %get3A_339 = tpu.vector_load %arg10[%get3A_337, %get3A_338] {strides = array<i32>} : memref<128x64xf32, #tpu.memory_space<vmem>>, vector<1x16xf32>,
        %get3A_340 = vector.shape_cast %get3A_339 : vector<1x16xf32> to vector<16xf32>
        %mul3A_341 = vector.broadcast %squeeze3A_303 : f32 to vector<16xf32>
        %mul3A_342 = arith.mulf %get3A_340, %mul3A_341 : vector<16xf32>
        %swap3A_343 = arith.index_cast %add3A_301 : i32 to index
        %swap3A_344 = arith.constant 48 : index
        %swap3A_345 = tpu.vector_load %arg10[%swap3A_343, %swap3A_344] {strides = array<i32>} : memref<128x64xf32, #tpu.memory_space<vmem>>, vector<1x16xf32>,
        %swap3A_346 = vector.shape_cast %swap3A_345 : vector<1x16xf32> to vector<16xf32>
        %swap3A_347 = vector.shape_cast %mul3A_342 : vector<16xf32> to vector<1x16xf32>
        tpu.vector_store %arg10[%swap3A_343, %swap3A_344], %swap3A_347 {strides = array<i32>} : memref<128x64xf32, #tpu.memory_space<vmem>>, vector<1x16xf32>,
        %mul3A_348 = arith.constant 16 : i32
        %mul3A_349 = arith.muli %mul3A_348, %scan3A_45 : i32
        %add3A_350 = arith.constant 6 : i32
        %add3A_351 = arith.addi %mul3A_349, %add3A_350 : i32
        %slice3A_352 = vector.extract_strided_slice %get3A_50 {offsets = [6], sizes = [1], strides = [1]} : vector<16xf32> to vector<1xf32>
        %squeeze3A_353 = vector.extract %slice3A_352[0] : f32 from vector<1xf32>
        %get3A_354 = arith.index_cast %add3A_351 : i32 to index
        %get3A_355 = arith.constant 0 : index
        %get3A_356 = tpu.vector_load %arg10[%get3A_354, %get3A_355] {strides = array<i32>} : memref<128x64xf32, #tpu.memory_space<vmem>>, vector<1x16xf32>,
        %get3A_357 = vector.shape_cast %get3A_356 : vector<1x16xf32> to vector<16xf32>
        %mul3A_358 = vector.broadcast %squeeze3A_353 : f32 to vector<16xf32>
        %mul3A_359 = arith.mulf %get3A_357, %mul3A_358 : vector<16xf32>
        %swap3A_360 = arith.index_cast %add3A_351 : i32 to index
        %swap3A_361 = arith.constant 0 : index
        %swap3A_362 = tpu.vector_load %arg10[%swap3A_360, %swap3A_361] {strides = array<i32>} : memref<128x64xf32, #tpu.memory_space<vmem>>, vector<1x16xf32>,
        %swap3A_363 = vector.shape_cast %swap3A_362 : vector<1x16xf32> to vector<16xf32>
        %swap3A_364 = vector.shape_cast %mul3A_359 : vector<16xf32> to vector<1x16xf32>
        tpu.vector_store %arg10[%swap3A_360, %swap3A_361], %swap3A_364 {strides = array<i32>} : memref<128x64xf32, #tpu.memory_space<vmem>>, vector<1x16xf32>,
        %get3A_365 = arith.index_cast %add3A_351 : i32 to index
        %get3A_366 = arith.constant 16 : index
        %get3A_367 = tpu.vector_load %arg10[%get3A_365, %get3A_366] {strides = array<i32>} : memref<128x64xf32, #tpu.memory_space<vmem>>, vector<1x16xf32>,
        %get3A_368 = vector.shape_cast %get3A_367 : vector<1x16xf32> to vector<16xf32>
        %mul3A_369 = vector.broadcast %squeeze3A_353 : f32 to vector<16xf32>
        %mul3A_370 = arith.mulf %get3A_368, %mul3A_369 : vector<16xf32>
        %swap3A_371 = arith.index_cast %add3A_351 : i32 to index
        %swap3A_372 = arith.constant 16 : index
        %swap3A_373 = tpu.vector_load %arg10[%swap3A_371, %swap3A_372] {strides = array<i32>} : memref<128x64xf32, #tpu.memory_space<vmem>>, vector<1x16xf32>,
        %swap3A_374 = vector.shape_cast %swap3A_373 : vector<1x16xf32> to vector<16xf32>
        %swap3A_375 = vector.shape_cast %mul3A_370 : vector<16xf32> to vector<1x16xf32>
        tpu.vector_store %arg10[%swap3A_371, %swap3A_372], %swap3A_375 {strides = array<i32>} : memref<128x64xf32, #tpu.memory_space<vmem>>, vector<1x16xf32>,
        %get3A_376 = arith.index_cast %add3A_351 : i32 to index
        %get3A_377 = arith.constant 32 : index
        %get3A_378 = tpu.vector_load %arg10[%get3A_376, %get3A_377] {strides = array<i32>} : memref<128x64xf32, #tpu.memory_space<vmem>>, vector<1x16xf32>,
        %get3A_379 = vector.shape_cast %get3A_378 : vector<1x16xf32> to vector<16xf32>
        %mul3A_380 = vector.broadcast %squeeze3A_353 : f32 to vector<16xf32>
        %mul3A_381 = arith.mulf %get3A_379, %mul3A_380 : vector<16xf32>
        %swap3A_382 = arith.index_cast %add3A_351 : i32 to index
        %swap3A_383 = arith.constant 32 : index
        %swap3A_384 = tpu.vector_load %arg10[%swap3A_382, %swap3A_383] {strides = array<i32>} : memref<128x64xf32, #tpu.memory_space<vmem>>, vector<1x16xf32>,
        %swap3A_385 = vector.shape_cast %swap3A_384 : vector<1x16xf32> to vector<16xf32>
        %swap3A_386 = vector.shape_cast %mul3A_381 : vector<16xf32> to vector<1x16xf32>
        tpu.vector_store %arg10[%swap3A_382, %swap3A_383], %swap3A_386 {strides = array<i32>} : memref<128x64xf32, #tpu.memory_space<vmem>>, vector<1x16xf32>,
        %get3A_387 = arith.index_cast %add3A_351 : i32 to index
        %get3A_388 = arith.constant 48 : index
        %get3A_389 = tpu.vector_load %arg10[%get3A_387, %get3A_388] {strides = array<i32>} : memref<128x64xf32, #tpu.memory_space<vmem>>, vector<1x16xf32>,
        %get3A_390 = vector.shape_cast %get3A_389 : vector<1x16xf32> to vector<16xf32>
        %mul3A_391 = vector.broadcast %squeeze3A_353 : f32 to vector<16xf32>
        %mul3A_392 = arith.mulf %get3A_390, %mul3A_391 : vector<16xf32>
        %swap3A_393 = arith.index_cast %add3A_351 : i32 to index
        %swap3A_394 = arith.constant 48 : index
        %swap3A_395 = tpu.vector_load %arg10[%swap3A_393, %swap3A_394] {strides = array<i32>} : memref<128x64xf32, #tpu.memory_space<vmem>>, vector<1x16xf32>,
        %swap3A_396 = vector.shape_cast %swap3A_395 : vector<1x16xf32> to vector<16xf32>
        %swap3A_397 = vector.shape_cast %mul3A_392 : vector<16xf32> to vector<1x16xf32>
        tpu.vector_store %arg10[%swap3A_393, %swap3A_394], %swap3A_397 {strides = array<i32>} : memref<128x64xf32, #tpu.memory_space<vmem>>, vector<1x16xf32>,
        %mul3A_398 = arith.constant 16 : i32
        %mul3A_399 = arith.muli %mul3A_398, %scan3A_45 : i32
        %add3A_400 = arith.constant 7 : i32
        %add3A_401 = arith.addi %mul3A_399, %add3A_400 : i32
        %slice3A_402 = vector.extract_strided_slice %get3A_50 {offsets = [7], sizes = [1], strides = [1]} : vector<16xf32> to vector<1xf32>
        %squeeze3A_403 = vector.extract %slice3A_402[0] : f32 from vector<1xf32>
        %get3A_404 = arith.index_cast %add3A_401 : i32 to index
        %get3A_405 = arith.constant 0 : index
        %get3A_406 = tpu.vector_load %arg10[%get3A_404, %get3A_405] {strides = array<i32>} : memref<128x64xf32, #tpu.memory_space<vmem>>, vector<1x16xf32>,
        %get3A_407 = vector.shape_cast %get3A_406 : vector<1x16xf32> to vector<16xf32>
        %mul3A_408 = vector.broadcast %squeeze3A_403 : f32 to vector<16xf32>
        %mul3A_409 = arith.mulf %get3A_407, %mul3A_408 : vector<16xf32>
        %swap3A_410 = arith.index_cast %add3A_401 : i32 to index
        %swap3A_411 = arith.constant 0 : index
        %swap3A_412 = tpu.vector_load %arg10[%swap3A_410, %swap3A_411] {strides = array<i32>} : memref<128x64xf32, #tpu.memory_space<vmem>>, vector<1x16xf32>,
        %swap3A_413 = vector.shape_cast %swap3A_412 : vector<1x16xf32> to vector<16xf32>
        %swap3A_414 = vector.shape_cast %mul3A_409 : vector<16xf32> to vector<1x16xf32>
        tpu.vector_store %arg10[%swap3A_410, %swap3A_411], %swap3A_414 {strides = array<i32>} : memref<128x64xf32, #tpu.memory_space<vmem>>, vector<1x16xf32>,
        %get3A_415 = arith.index_cast %add3A_401 : i32 to index
        %get3A_416 = arith.constant 16 : index
        %get3A_417 = tpu.vector_load %arg10[%get3A_415, %get3A_416] {strides = array<i32>} : memref<128x64xf32, #tpu.memory_space<vmem>>, vector<1x16xf32>,
        %get3A_418 = vector.shape_cast %get3A_417 : vector<1x16xf32> to vector<16xf32>
        %mul3A_419 = vector.broadcast %squeeze3A_403 : f32 to vector<16xf32>
        %mul3A_420 = arith.mulf %get3A_418, %mul3A_419 : vector<16xf32>
        %swap3A_421 = arith.index_cast %add3A_401 : i32 to index
        %swap3A_422 = arith.constant 16 : index
        %swap3A_423 = tpu.vector_load %arg10[%swap3A_421, %swap3A_422] {strides = array<i32>} : memref<128x64xf32, #tpu.memory_space<vmem>>, vector<1x16xf32>,
        %swap3A_424 = vector.shape_cast %swap3A_423 : vector<1x16xf32> to vector<16xf32>
        %swap3A_425 = vector.shape_cast %mul3A_420 : vector<16xf32> to vector<1x16xf32>
        tpu.vector_store %arg10[%swap3A_421, %swap3A_422], %swap3A_425 {strides = array<i32>} : memref<128x64xf32, #tpu.memory_space<vmem>>, vector<1x16xf32>,
        %get3A_426 = arith.index_cast %add3A_401 : i32 to index
        %get3A_427 = arith.constant 32 : index
        %get3A_428 = tpu.vector_load %arg10[%get3A_426, %get3A_427] {strides = array<i32>} : memref<128x64xf32, #tpu.memory_space<vmem>>, vector<1x16xf32>,
        %get3A_429 = vector.shape_cast %get3A_428 : vector<1x16xf32> to vector<16xf32>
        %mul3A_430 = vector.broadcast %squeeze3A_403 : f32 to vector<16xf32>
        %mul3A_431 = arith.mulf %get3A_429, %mul3A_430 : vector<16xf32>
        %swap3A_432 = arith.index_cast %add3A_401 : i32 to index
        %swap3A_433 = arith.constant 32 : index
        %swap3A_434 = tpu.vector_load %arg10[%swap3A_432, %swap3A_433] {strides = array<i32>} : memref<128x64xf32, #tpu.memory_space<vmem>>, vector<1x16xf32>,
        %swap3A_435 = vector.shape_cast %swap3A_434 : vector<1x16xf32> to vector<16xf32>
        %swap3A_436 = vector.shape_cast %mul3A_431 : vector<16xf32> to vector<1x16xf32>
        tpu.vector_store %arg10[%swap3A_432, %swap3A_433], %swap3A_436 {strides = array<i32>} : memref<128x64xf32, #tpu.memory_space<vmem>>, vector<1x16xf32>,
        %get3A_437 = arith.index_cast %add3A_401 : i32 to index
        %get3A_438 = arith.constant 48 : index
        %get3A_439 = tpu.vector_load %arg10[%get3A_437, %get3A_438] {strides = array<i32>} : memref<128x64xf32, #tpu.memory_space<vmem>>, vector<1x16xf32>,
        %get3A_440 = vector.shape_cast %get3A_439 : vector<1x16xf32> to vector<16xf32>
        %mul3A_441 = vector.broadcast %squeeze3A_403 : f32 to vector<16xf32>
        %mul3A_442 = arith.mulf %get3A_440, %mul3A_441 : vector<16xf32>
        %swap3A_443 = arith.index_cast %add3A_401 : i32 to index
        %swap3A_444 = arith.constant 48 : index
        %swap3A_445 = tpu.vector_load %arg10[%swap3A_443, %swap3A_444] {strides = array<i32>} : memref<128x64xf32, #tpu.memory_space<vmem>>, vector<1x16xf32>,
        %swap3A_446 = vector.shape_cast %swap3A_445 : vector<1x16xf32> to vector<16xf32>
        %swap3A_447 = vector.shape_cast %mul3A_442 : vector<16xf32> to vector<1x16xf32>
        tpu.vector_store %arg10[%swap3A_443, %swap3A_444], %swap3A_447 {strides = array<i32>} : memref<128x64xf32, #tpu.memory_space<vmem>>, vector<1x16xf32>,
        %mul3A_448 = arith.constant 16 : i32
        %mul3A_449 = arith.muli %mul3A_448, %scan3A_45 : i32
        %add3A_450 = arith.constant 8 : i32
        %add3A_451 = arith.addi %mul3A_449, %add3A_450 : i32
        %slice3A_452 = vector.extract_strided_slice %get3A_50 {offsets = [8], sizes = [1], strides = [1]} : vector<16xf32> to vector<1xf32>
        %squeeze3A_453 = vector.extract %slice3A_452[0] : f32 from vector<1xf32>
        %get3A_454 = arith.index_cast %add3A_451 : i32 to index
        %get3A_455 = arith.constant 0 : index
        %get3A_456 = tpu.vector_load %arg10[%get3A_454, %get3A_455] {strides = array<i32>} : memref<128x64xf32, #tpu.memory_space<vmem>>, vector<1x16xf32>,
        %get3A_457 = vector.shape_cast %get3A_456 : vector<1x16xf32> to vector<16xf32>
        %mul3A_458 = vector.broadcast %squeeze3A_453 : f32 to vector<16xf32>
        %mul3A_459 = arith.mulf %get3A_457, %mul3A_458 : vector<16xf32>
        %swap3A_460 = arith.index_cast %add3A_451 : i32 to index
        %swap3A_461 = arith.constant 0 : index
        %swap3A_462 = tpu.vector_load %arg10[%swap3A_460, %swap3A_461] {strides = array<i32>} : memref<128x64xf32, #tpu.memory_space<vmem>>, vector<1x16xf32>,
        %swap3A_463 = vector.shape_cast %swap3A_462 : vector<1x16xf32> to vector<16xf32>
        %swap3A_464 = vector.shape_cast %mul3A_459 : vector<16xf32> to vector<1x16xf32>
        tpu.vector_store %arg10[%swap3A_460, %swap3A_461], %swap3A_464 {strides = array<i32>} : memref<128x64xf32, #tpu.memory_space<vmem>>, vector<1x16xf32>,
        %get3A_465 = arith.index_cast %add3A_451 : i32 to index
        %get3A_466 = arith.constant 16 : index
        %get3A_467 = tpu.vector_load %arg10[%get3A_465, %get3A_466] {strides = array<i32>} : memref<128x64xf32, #tpu.memory_space<vmem>>, vector<1x16xf32>,
        %get3A_468 = vector.shape_cast %get3A_467 : vector<1x16xf32> to vector<16xf32>
        %mul3A_469 = vector.broadcast %squeeze3A_453 : f32 to vector<16xf32>
        %mul3A_470 = arith.mulf %get3A_468, %mul3A_469 : vector<16xf32>
        %swap3A_471 = arith.index_cast %add3A_451 : i32 to index
        %swap3A_472 = arith.constant 16 : index
        %swap3A_473 = tpu.vector_load %arg10[%swap3A_471, %swap3A_472] {strides = array<i32>} : memref<128x64xf32, #tpu.memory_space<vmem>>, vector<1x16xf32>,
        %swap3A_474 = vector.shape_cast %swap3A_473 : vector<1x16xf32> to vector<16xf32>
        %swap3A_475 = vector.shape_cast %mul3A_470 : vector<16xf32> to vector<1x16xf32>
        tpu.vector_store %arg10[%swap3A_471, %swap3A_472], %swap3A_475 {strides = array<i32>} : memref<128x64xf32, #tpu.memory_space<vmem>>, vector<1x16xf32>,
        %get3A_476 = arith.index_cast %add3A_451 : i32 to index
        %get3A_477 = arith.constant 32 : index
        %get3A_478 = tpu.vector_load %arg10[%get3A_476, %get3A_477] {strides = array<i32>} : memref<128x64xf32, #tpu.memory_space<vmem>>, vector<1x16xf32>,
        %get3A_479 = vector.shape_cast %get3A_478 : vector<1x16xf32> to vector<16xf32>
        %mul3A_480 = vector.broadcast %squeeze3A_453 : f32 to vector<16xf32>
        %mul3A_481 = arith.mulf %get3A_479, %mul3A_480 : vector<16xf32>
        %swap3A_482 = arith.index_cast %add3A_451 : i32 to index
        %swap3A_483 = arith.constant 32 : index
        %swap3A_484 = tpu.vector_load %arg10[%swap3A_482, %swap3A_483] {strides = array<i32>} : memref<128x64xf32, #tpu.memory_space<vmem>>, vector<1x16xf32>,
        %swap3A_485 = vector.shape_cast %swap3A_484 : vector<1x16xf32> to vector<16xf32>
        %swap3A_486 = vector.shape_cast %mul3A_481 : vector<16xf32> to vector<1x16xf32>
        tpu.vector_store %arg10[%swap3A_482, %swap3A_483], %swap3A_486 {strides = array<i32>} : memref<128x64xf32, #tpu.memory_space<vmem>>, vector<1x16xf32>,
        %get3A_487 = arith.index_cast %add3A_451 : i32 to index
        %get3A_488 = arith.constant 48 : index
        %get3A_489 = tpu.vector_load %arg10[%get3A_487, %get3A_488] {strides = array<i32>} : memref<128x64xf32, #tpu.memory_space<vmem>>, vector<1x16xf32>,
        %get3A_490 = vector.shape_cast %get3A_489 : vector<1x16xf32> to vector<16xf32>
        %mul3A_491 = vector.broadcast %squeeze3A_453 : f32 to vector<16xf32>
        %mul3A_492 = arith.mulf %get3A_490, %mul3A_491 : vector<16xf32>
        %swap3A_493 = arith.index_cast %add3A_451 : i32 to index
        %swap3A_494 = arith.constant 48 : index
        %swap3A_495 = tpu.vector_load %arg10[%swap3A_493, %swap3A_494] {strides = array<i32>} : memref<128x64xf32, #tpu.memory_space<vmem>>, vector<1x16xf32>,
        %swap3A_496 = vector.shape_cast %swap3A_495 : vector<1x16xf32> to vector<16xf32>
        %swap3A_497 = vector.shape_cast %mul3A_492 : vector<16xf32> to vector<1x16xf32>
        tpu.vector_store %arg10[%swap3A_493, %swap3A_494], %swap3A_497 {strides = array<i32>} : memref<128x64xf32, #tpu.memory_space<vmem>>, vector<1x16xf32>,
        %mul3A_498 = arith.constant 16 : i32
        %mul3A_499 = arith.muli %mul3A_498, %scan3A_45 : i32
        %add3A_500 = arith.constant 9 : i32
        %add3A_501 = arith.addi %mul3A_499, %add3A_500 : i32
        %slice3A_502 = vector.extract_strided_slice %get3A_50 {offsets = [9], sizes = [1], strides = [1]} : vector<16xf32> to vector<1xf32>
        %squeeze3A_503 = vector.extract %slice3A_502[0] : f32 from vector<1xf32>
        %get3A_504 = arith.index_cast %add3A_501 : i32 to index
        %get3A_505 = arith.constant 0 : index
        %get3A_506 = tpu.vector_load %arg10[%get3A_504, %get3A_505] {strides = array<i32>} : memref<128x64xf32, #tpu.memory_space<vmem>>, vector<1x16xf32>,
        %get3A_507 = vector.shape_cast %get3A_506 : vector<1x16xf32> to vector<16xf32>
        %mul3A_508 = vector.broadcast %squeeze3A_503 : f32 to vector<16xf32>
        %mul3A_509 = arith.mulf %get3A_507, %mul3A_508 : vector<16xf32>
        %swap3A_510 = arith.index_cast %add3A_501 : i32 to index
        %swap3A_511 = arith.constant 0 : index
        %swap3A_512 = tpu.vector_load %arg10[%swap3A_510, %swap3A_511] {strides = array<i32>} : memref<128x64xf32, #tpu.memory_space<vmem>>, vector<1x16xf32>,
        %swap3A_513 = vector.shape_cast %swap3A_512 : vector<1x16xf32> to vector<16xf32>
        %swap3A_514 = vector.shape_cast %mul3A_509 : vector<16xf32> to vector<1x16xf32>
        tpu.vector_store %arg10[%swap3A_510, %swap3A_511], %swap3A_514 {strides = array<i32>} : memref<128x64xf32, #tpu.memory_space<vmem>>, vector<1x16xf32>,
        %get3A_515 = arith.index_cast %add3A_501 : i32 to index
        %get3A_516 = arith.constant 16 : index
        %get3A_517 = tpu.vector_load %arg10[%get3A_515, %get3A_516] {strides = array<i32>} : memref<128x64xf32, #tpu.memory_space<vmem>>, vector<1x16xf32>,
        %get3A_518 = vector.shape_cast %get3A_517 : vector<1x16xf32> to vector<16xf32>
        %mul3A_519 = vector.broadcast %squeeze3A_503 : f32 to vector<16xf32>
        %mul3A_520 = arith.mulf %get3A_518, %mul3A_519 : vector<16xf32>
        %swap3A_521 = arith.index_cast %add3A_501 : i32 to index
        %swap3A_522 = arith.constant 16 : index
        %swap3A_523 = tpu.vector_load %arg10[%swap3A_521, %swap3A_522] {strides = array<i32>} : memref<128x64xf32, #tpu.memory_space<vmem>>, vector<1x16xf32>,
        %swap3A_524 = vector.shape_cast %swap3A_523 : vector<1x16xf32> to vector<16xf32>
        %swap3A_525 = vector.shape_cast %mul3A_520 : vector<16xf32> to vector<1x16xf32>
        tpu.vector_store %arg10[%swap3A_521, %swap3A_522], %swap3A_525 {strides = array<i32>} : memref<128x64xf32, #tpu.memory_space<vmem>>, vector<1x16xf32>,
        %get3A_526 = arith.index_cast %add3A_501 : i32 to index
        %get3A_527 = arith.constant 32 : index
        %get3A_528 = tpu.vector_load %arg10[%get3A_526, %get3A_527] {strides = array<i32>} : memref<128x64xf32, #tpu.memory_space<vmem>>, vector<1x16xf32>,
        %get3A_529 = vector.shape_cast %get3A_528 : vector<1x16xf32> to vector<16xf32>
        %mul3A_530 = vector.broadcast %squeeze3A_503 : f32 to vector<16xf32>
        %mul3A_531 = arith.mulf %get3A_529, %mul3A_530 : vector<16xf32>
        %swap3A_532 = arith.index_cast %add3A_501 : i32 to index
        %swap3A_533 = arith.constant 32 : index
        %swap3A_534 = tpu.vector_load %arg10[%swap3A_532, %swap3A_533] {strides = array<i32>} : memref<128x64xf32, #tpu.memory_space<vmem>>, vector<1x16xf32>,
        %swap3A_535 = vector.shape_cast %swap3A_534 : vector<1x16xf32> to vector<16xf32>
        %swap3A_536 = vector.shape_cast %mul3A_531 : vector<16xf32> to vector<1x16xf32>
        tpu.vector_store %arg10[%swap3A_532, %swap3A_533], %swap3A_536 {strides = array<i32>} : memref<128x64xf32, #tpu.memory_space<vmem>>, vector<1x16xf32>,
        %get3A_537 = arith.index_cast %add3A_501 : i32 to index
        %get3A_538 = arith.constant 48 : index
        %get3A_539 = tpu.vector_load %arg10[%get3A_537, %get3A_538] {strides = array<i32>} : memref<128x64xf32, #tpu.memory_space<vmem>>, vector<1x16xf32>,
        %get3A_540 = vector.shape_cast %get3A_539 : vector<1x16xf32> to vector<16xf32>
        %mul3A_541 = vector.broadcast %squeeze3A_503 : f32 to vector<16xf32>
        %mul3A_542 = arith.mulf %get3A_540, %mul3A_541 : vector<16xf32>
        %swap3A_543 = arith.index_cast %add3A_501 : i32 to index
        %swap3A_544 = arith.constant 48 : index
        %swap3A_545 = tpu.vector_load %arg10[%swap3A_543, %swap3A_544] {strides = array<i32>} : memref<128x64xf32, #tpu.memory_space<vmem>>, vector<1x16xf32>,
        %swap3A_546 = vector.shape_cast %swap3A_545 : vector<1x16xf32> to vector<16xf32>
        %swap3A_547 = vector.shape_cast %mul3A_542 : vector<16xf32> to vector<1x16xf32>
        tpu.vector_store %arg10[%swap3A_543, %swap3A_544], %swap3A_547 {strides = array<i32>} : memref<128x64xf32, #tpu.memory_space<vmem>>, vector<1x16xf32>,
        %mul3A_548 = arith.constant 16 : i32
        %mul3A_549 = arith.muli %mul3A_548, %scan3A_45 : i32
        %add3A_550 = arith.constant 10 : i32
        %add3A_551 = arith.addi %mul3A_549, %add3A_550 : i32
        %slice3A_552 = vector.extract_strided_slice %get3A_50 {offsets = [10], sizes = [1], strides = [1]} : vector<16xf32> to vector<1xf32>
        %squeeze3A_553 = vector.extract %slice3A_552[0] : f32 from vector<1xf32>
        %get3A_554 = arith.index_cast %add3A_551 : i32 to index
        %get3A_555 = arith.constant 0 : index
        %get3A_556 = tpu.vector_load %arg10[%get3A_554, %get3A_555] {strides = array<i32>} : memref<128x64xf32, #tpu.memory_space<vmem>>, vector<1x16xf32>,
        %get3A_557 = vector.shape_cast %get3A_556 : vector<1x16xf32> to vector<16xf32>
        %mul3A_558 = vector.broadcast %squeeze3A_553 : f32 to vector<16xf32>
        %mul3A_559 = arith.mulf %get3A_557, %mul3A_558 : vector<16xf32>
        %swap3A_560 = arith.index_cast %add3A_551 : i32 to index
        %swap3A_561 = arith.constant 0 : index
        %swap3A_562 = tpu.vector_load %arg10[%swap3A_560, %swap3A_561] {strides = array<i32>} : memref<128x64xf32, #tpu.memory_space<vmem>>, vector<1x16xf32>,
        %swap3A_563 = vector.shape_cast %swap3A_562 : vector<1x16xf32> to vector<16xf32>
        %swap3A_564 = vector.shape_cast %mul3A_559 : vector<16xf32> to vector<1x16xf32>
        tpu.vector_store %arg10[%swap3A_560, %swap3A_561], %swap3A_564 {strides = array<i32>} : memref<128x64xf32, #tpu.memory_space<vmem>>, vector<1x16xf32>,
        %get3A_565 = arith.index_cast %add3A_551 : i32 to index
        %get3A_566 = arith.constant 16 : index
        %get3A_567 = tpu.vector_load %arg10[%get3A_565, %get3A_566] {strides = array<i32>} : memref<128x64xf32, #tpu.memory_space<vmem>>, vector<1x16xf32>,
        %get3A_568 = vector.shape_cast %get3A_567 : vector<1x16xf32> to vector<16xf32>
        %mul3A_569 = vector.broadcast %squeeze3A_553 : f32 to vector<16xf32>
        %mul3A_570 = arith.mulf %get3A_568, %mul3A_569 : vector<16xf32>
        %swap3A_571 = arith.index_cast %add3A_551 : i32 to index
        %swap3A_572 = arith.constant 16 : index
        %swap3A_573 = tpu.vector_load %arg10[%swap3A_571, %swap3A_572] {strides = array<i32>} : memref<128x64xf32, #tpu.memory_space<vmem>>, vector<1x16xf32>,
        %swap3A_574 = vector.shape_cast %swap3A_573 : vector<1x16xf32> to vector<16xf32>
        %swap3A_575 = vector.shape_cast %mul3A_570 : vector<16xf32> to vector<1x16xf32>
        tpu.vector_store %arg10[%swap3A_571, %swap3A_572], %swap3A_575 {strides = array<i32>} : memref<128x64xf32, #tpu.memory_space<vmem>>, vector<1x16xf32>,
        %get3A_576 = arith.index_cast %add3A_551 : i32 to index
        %get3A_577 = arith.constant 32 : index
        %get3A_578 = tpu.vector_load %arg10[%get3A_576, %get3A_577] {strides = array<i32>} : memref<128x64xf32, #tpu.memory_space<vmem>>, vector<1x16xf32>,
        %get3A_579 = vector.shape_cast %get3A_578 : vector<1x16xf32> to vector<16xf32>
        %mul3A_580 = vector.broadcast %squeeze3A_553 : f32 to vector<16xf32>
        %mul3A_581 = arith.mulf %get3A_579, %mul3A_580 : vector<16xf32>
        %swap3A_582 = arith.index_cast %add3A_551 : i32 to index
        %swap3A_583 = arith.constant 32 : index
        %swap3A_584 = tpu.vector_load %arg10[%swap3A_582, %swap3A_583] {strides = array<i32>} : memref<128x64xf32, #tpu.memory_space<vmem>>, vector<1x16xf32>,
        %swap3A_585 = vector.shape_cast %swap3A_584 : vector<1x16xf32> to vector<16xf32>
        %swap3A_586 = vector.shape_cast %mul3A_581 : vector<16xf32> to vector<1x16xf32>
        tpu.vector_store %arg10[%swap3A_582, %swap3A_583], %swap3A_586 {strides = array<i32>} : memref<128x64xf32, #tpu.memory_space<vmem>>, vector<1x16xf32>,
        %get3A_587 = arith.index_cast %add3A_551 : i32 to index
        %get3A_588 = arith.constant 48 : index
        %get3A_589 = tpu.vector_load %arg10[%get3A_587, %get3A_588] {strides = array<i32>} : memref<128x64xf32, #tpu.memory_space<vmem>>, vector<1x16xf32>,
        %get3A_590 = vector.shape_cast %get3A_589 : vector<1x16xf32> to vector<16xf32>
        %mul3A_591 = vector.broadcast %squeeze3A_553 : f32 to vector<16xf32>
        %mul3A_592 = arith.mulf %get3A_590, %mul3A_591 : vector<16xf32>
        %swap3A_593 = arith.index_cast %add3A_551 : i32 to index
        %swap3A_594 = arith.constant 48 : index
        %swap3A_595 = tpu.vector_load %arg10[%swap3A_593, %swap3A_594] {strides = array<i32>} : memref<128x64xf32, #tpu.memory_space<vmem>>, vector<1x16xf32>,
        %swap3A_596 = vector.shape_cast %swap3A_595 : vector<1x16xf32> to vector<16xf32>
        %swap3A_597 = vector.shape_cast %mul3A_592 : vector<16xf32> to vector<1x16xf32>
        tpu.vector_store %arg10[%swap3A_593, %swap3A_594], %swap3A_597 {strides = array<i32>} : memref<128x64xf32, #tpu.memory_space<vmem>>, vector<1x16xf32>,
        %mul3A_598 = arith.constant 16 : i32
        %mul3A_599 = arith.muli %mul3A_598, %scan3A_45 : i32
        %add3A_600 = arith.constant 11 : i32
        %add3A_601 = arith.addi %mul3A_599, %add3A_600 : i32
        %slice3A_602 = vector.extract_strided_slice %get3A_50 {offsets = [11], sizes = [1], strides = [1]} : vector<16xf32> to vector<1xf32>
        %squeeze3A_603 = vector.extract %slice3A_602[0] : f32 from vector<1xf32>
        %get3A_604 = arith.index_cast %add3A_601 : i32 to index
        %get3A_605 = arith.constant 0 : index
        %get3A_606 = tpu.vector_load %arg10[%get3A_604, %get3A_605] {strides = array<i32>} : memref<128x64xf32, #tpu.memory_space<vmem>>, vector<1x16xf32>,
        %get3A_607 = vector.shape_cast %get3A_606 : vector<1x16xf32> to vector<16xf32>
        %mul3A_608 = vector.broadcast %squeeze3A_603 : f32 to vector<16xf32>
        %mul3A_609 = arith.mulf %get3A_607, %mul3A_608 : vector<16xf32>
        %swap3A_610 = arith.index_cast %add3A_601 : i32 to index
        %swap3A_611 = arith.constant 0 : index
        %swap3A_612 = tpu.vector_load %arg10[%swap3A_610, %swap3A_611] {strides = array<i32>} : memref<128x64xf32, #tpu.memory_space<vmem>>, vector<1x16xf32>,
        %swap3A_613 = vector.shape_cast %swap3A_612 : vector<1x16xf32> to vector<16xf32>
        %swap3A_614 = vector.shape_cast %mul3A_609 : vector<16xf32> to vector<1x16xf32>
        tpu.vector_store %arg10[%swap3A_610, %swap3A_611], %swap3A_614 {strides = array<i32>} : memref<128x64xf32, #tpu.memory_space<vmem>>, vector<1x16xf32>,
        %get3A_615 = arith.index_cast %add3A_601 : i32 to index
        %get3A_616 = arith.constant 16 : index
        %get3A_617 = tpu.vector_load %arg10[%get3A_615, %get3A_616] {strides = array<i32>} : memref<128x64xf32, #tpu.memory_space<vmem>>, vector<1x16xf32>,
        %get3A_618 = vector.shape_cast %get3A_617 : vector<1x16xf32> to vector<16xf32>
        %mul3A_619 = vector.broadcast %squeeze3A_603 : f32 to vector<16xf32>
        %mul3A_620 = arith.mulf %get3A_618, %mul3A_619 : vector<16xf32>
        %swap3A_621 = arith.index_cast %add3A_601 : i32 to index
        %swap3A_622 = arith.constant 16 : index
        %swap3A_623 = tpu.vector_load %arg10[%swap3A_621, %swap3A_622] {strides = array<i32>} : memref<128x64xf32, #tpu.memory_space<vmem>>, vector<1x16xf32>,
        %swap3A_624 = vector.shape_cast %swap3A_623 : vector<1x16xf32> to vector<16xf32>
        %swap3A_625 = vector.shape_cast %mul3A_620 : vector<16xf32> to vector<1x16xf32>
        tpu.vector_store %arg10[%swap3A_621, %swap3A_622], %swap3A_625 {strides = array<i32>} : memref<128x64xf32, #tpu.memory_space<vmem>>, vector<1x16xf32>,
        %get3A_626 = arith.index_cast %add3A_601 : i32 to index
        %get3A_627 = arith.constant 32 : index
        %get3A_628 = tpu.vector_load %arg10[%get3A_626, %get3A_627] {strides = array<i32>} : memref<128x64xf32, #tpu.memory_space<vmem>>, vector<1x16xf32>,
        %get3A_629 = vector.shape_cast %get3A_628 : vector<1x16xf32> to vector<16xf32>
        %mul3A_630 = vector.broadcast %squeeze3A_603 : f32 to vector<16xf32>
        %mul3A_631 = arith.mulf %get3A_629, %mul3A_630 : vector<16xf32>
        %swap3A_632 = arith.index_cast %add3A_601 : i32 to index
        %swap3A_633 = arith.constant 32 : index
        %swap3A_634 = tpu.vector_load %arg10[%swap3A_632, %swap3A_633] {strides = array<i32>} : memref<128x64xf32, #tpu.memory_space<vmem>>, vector<1x16xf32>,
        %swap3A_635 = vector.shape_cast %swap3A_634 : vector<1x16xf32> to vector<16xf32>
        %swap3A_636 = vector.shape_cast %mul3A_631 : vector<16xf32> to vector<1x16xf32>
        tpu.vector_store %arg10[%swap3A_632, %swap3A_633], %swap3A_636 {strides = array<i32>} : memref<128x64xf32, #tpu.memory_space<vmem>>, vector<1x16xf32>,
        %get3A_637 = arith.index_cast %add3A_601 : i32 to index
        %get3A_638 = arith.constant 48 : index
        %get3A_639 = tpu.vector_load %arg10[%get3A_637, %get3A_638] {strides = array<i32>} : memref<128x64xf32, #tpu.memory_space<vmem>>, vector<1x16xf32>,
        %get3A_640 = vector.shape_cast %get3A_639 : vector<1x16xf32> to vector<16xf32>
        %mul3A_641 = vector.broadcast %squeeze3A_603 : f32 to vector<16xf32>
        %mul3A_642 = arith.mulf %get3A_640, %mul3A_641 : vector<16xf32>
        %swap3A_643 = arith.index_cast %add3A_601 : i32 to index
        %swap3A_644 = arith.constant 48 : index
        %swap3A_645 = tpu.vector_load %arg10[%swap3A_643, %swap3A_644] {strides = array<i32>} : memref<128x64xf32, #tpu.memory_space<vmem>>, vector<1x16xf32>,
        %swap3A_646 = vector.shape_cast %swap3A_645 : vector<1x16xf32> to vector<16xf32>
        %swap3A_647 = vector.shape_cast %mul3A_642 : vector<16xf32> to vector<1x16xf32>
        tpu.vector_store %arg10[%swap3A_643, %swap3A_644], %swap3A_647 {strides = array<i32>} : memref<128x64xf32, #tpu.memory_space<vmem>>, vector<1x16xf32>,
        %mul3A_648 = arith.constant 16 : i32
        %mul3A_649 = arith.muli %mul3A_648, %scan3A_45 : i32
        %add3A_650 = arith.constant 12 : i32
        %add3A_651 = arith.addi %mul3A_649, %add3A_650 : i32
        %slice3A_652 = vector.extract_strided_slice %get3A_50 {offsets = [12], sizes = [1], strides = [1]} : vector<16xf32> to vector<1xf32>
        %squeeze3A_653 = vector.extract %slice3A_652[0] : f32 from vector<1xf32>
        %get3A_654 = arith.index_cast %add3A_651 : i32 to index
        %get3A_655 = arith.constant 0 : index
        %get3A_656 = tpu.vector_load %arg10[%get3A_654, %get3A_655] {strides = array<i32>} : memref<128x64xf32, #tpu.memory_space<vmem>>, vector<1x16xf32>,
        %get3A_657 = vector.shape_cast %get3A_656 : vector<1x16xf32> to vector<16xf32>
        %mul3A_658 = vector.broadcast %squeeze3A_653 : f32 to vector<16xf32>
        %mul3A_659 = arith.mulf %get3A_657, %mul3A_658 : vector<16xf32>
        %swap3A_660 = arith.index_cast %add3A_651 : i32 to index
        %swap3A_661 = arith.constant 0 : index
        %swap3A_662 = tpu.vector_load %arg10[%swap3A_660, %swap3A_661] {strides = array<i32>} : memref<128x64xf32, #tpu.memory_space<vmem>>, vector<1x16xf32>,
        %swap3A_663 = vector.shape_cast %swap3A_662 : vector<1x16xf32> to vector<16xf32>
        %swap3A_664 = vector.shape_cast %mul3A_659 : vector<16xf32> to vector<1x16xf32>
        tpu.vector_store %arg10[%swap3A_660, %swap3A_661], %swap3A_664 {strides = array<i32>} : memref<128x64xf32, #tpu.memory_space<vmem>>, vector<1x16xf32>,
        %get3A_665 = arith.index_cast %add3A_651 : i32 to index
        %get3A_666 = arith.constant 16 : index
        %get3A_667 = tpu.vector_load %arg10[%get3A_665, %get3A_666] {strides = array<i32>} : memref<128x64xf32, #tpu.memory_space<vmem>>, vector<1x16xf32>,
        %get3A_668 = vector.shape_cast %get3A_667 : vector<1x16xf32> to vector<16xf32>
        %mul3A_669 = vector.broadcast %squeeze3A_653 : f32 to vector<16xf32>
        %mul3A_670 = arith.mulf %get3A_668, %mul3A_669 : vector<16xf32>
        %swap3A_671 = arith.index_cast %add3A_651 : i32 to index
        %swap3A_672 = arith.constant 16 : index
        %swap3A_673 = tpu.vector_load %arg10[%swap3A_671, %swap3A_672] {strides = array<i32>} : memref<128x64xf32, #tpu.memory_space<vmem>>, vector<1x16xf32>,
        %swap3A_674 = vector.shape_cast %swap3A_673 : vector<1x16xf32> to vector<16xf32>
        %swap3A_675 = vector.shape_cast %mul3A_670 : vector<16xf32> to vector<1x16xf32>
        tpu.vector_store %arg10[%swap3A_671, %swap3A_672], %swap3A_675 {strides = array<i32>} : memref<128x64xf32, #tpu.memory_space<vmem>>, vector<1x16xf32>,
        %get3A_676 = arith.index_cast %add3A_651 : i32 to index
        %get3A_677 = arith.constant 32 : index
        %get3A_678 = tpu.vector_load %arg10[%get3A_676, %get3A_677] {strides = array<i32>} : memref<128x64xf32, #tpu.memory_space<vmem>>, vector<1x16xf32>,
        %get3A_679 = vector.shape_cast %get3A_678 : vector<1x16xf32> to vector<16xf32>
        %mul3A_680 = vector.broadcast %squeeze3A_653 : f32 to vector<16xf32>
        %mul3A_681 = arith.mulf %get3A_679, %mul3A_680 : vector<16xf32>
        %swap3A_682 = arith.index_cast %add3A_651 : i32 to index
        %swap3A_683 = arith.constant 32 : index
        %swap3A_684 = tpu.vector_load %arg10[%swap3A_682, %swap3A_683] {strides = array<i32>} : memref<128x64xf32, #tpu.memory_space<vmem>>, vector<1x16xf32>,
        %swap3A_685 = vector.shape_cast %swap3A_684 : vector<1x16xf32> to vector<16xf32>
        %swap3A_686 = vector.shape_cast %mul3A_681 : vector<16xf32> to vector<1x16xf32>
        tpu.vector_store %arg10[%swap3A_682, %swap3A_683], %swap3A_686 {strides = array<i32>} : memref<128x64xf32, #tpu.memory_space<vmem>>, vector<1x16xf32>,
        %get3A_687 = arith.index_cast %add3A_651 : i32 to index
        %get3A_688 = arith.constant 48 : index
        %get3A_689 = tpu.vector_load %arg10[%get3A_687, %get3A_688] {strides = array<i32>} : memref<128x64xf32, #tpu.memory_space<vmem>>, vector<1x16xf32>,
        %get3A_690 = vector.shape_cast %get3A_689 : vector<1x16xf32> to vector<16xf32>
        %mul3A_691 = vector.broadcast %squeeze3A_653 : f32 to vector<16xf32>
        %mul3A_692 = arith.mulf %get3A_690, %mul3A_691 : vector<16xf32>
        %swap3A_693 = arith.index_cast %add3A_651 : i32 to index
        %swap3A_694 = arith.constant 48 : index
        %swap3A_695 = tpu.vector_load %arg10[%swap3A_693, %swap3A_694] {strides = array<i32>} : memref<128x64xf32, #tpu.memory_space<vmem>>, vector<1x16xf32>,
        %swap3A_696 = vector.shape_cast %swap3A_695 : vector<1x16xf32> to vector<16xf32>
        %swap3A_697 = vector.shape_cast %mul3A_692 : vector<16xf32> to vector<1x16xf32>
        tpu.vector_store %arg10[%swap3A_693, %swap3A_694], %swap3A_697 {strides = array<i32>} : memref<128x64xf32, #tpu.memory_space<vmem>>, vector<1x16xf32>,
        %mul3A_698 = arith.constant 16 : i32
        %mul3A_699 = arith.muli %mul3A_698, %scan3A_45 : i32
        %add3A_700 = arith.constant 13 : i32
        %add3A_701 = arith.addi %mul3A_699, %add3A_700 : i32
        %slice3A_702 = vector.extract_strided_slice %get3A_50 {offsets = [13], sizes = [1], strides = [1]} : vector<16xf32> to vector<1xf32>
        %squeeze3A_703 = vector.extract %slice3A_702[0] : f32 from vector<1xf32>
        %get3A_704 = arith.index_cast %add3A_701 : i32 to index
        %get3A_705 = arith.constant 0 : index
        %get3A_706 = tpu.vector_load %arg10[%get3A_704, %get3A_705] {strides = array<i32>} : memref<128x64xf32, #tpu.memory_space<vmem>>, vector<1x16xf32>,
        %get3A_707 = vector.shape_cast %get3A_706 : vector<1x16xf32> to vector<16xf32>
        %mul3A_708 = vector.broadcast %squeeze3A_703 : f32 to vector<16xf32>
        %mul3A_709 = arith.mulf %get3A_707, %mul3A_708 : vector<16xf32>
        %swap3A_710 = arith.index_cast %add3A_701 : i32 to index
        %swap3A_711 = arith.constant 0 : index
        %swap3A_712 = tpu.vector_load %arg10[%swap3A_710, %swap3A_711] {strides = array<i32>} : memref<128x64xf32, #tpu.memory_space<vmem>>, vector<1x16xf32>,
        %swap3A_713 = vector.shape_cast %swap3A_712 : vector<1x16xf32> to vector<16xf32>
        %swap3A_714 = vector.shape_cast %mul3A_709 : vector<16xf32> to vector<1x16xf32>
        tpu.vector_store %arg10[%swap3A_710, %swap3A_711], %swap3A_714 {strides = array<i32>} : memref<128x64xf32, #tpu.memory_space<vmem>>, vector<1x16xf32>,
        %get3A_715 = arith.index_cast %add3A_701 : i32 to index
        %get3A_716 = arith.constant 16 : index
        %get3A_717 = tpu.vector_load %arg10[%get3A_715, %get3A_716] {strides = array<i32>} : memref<128x64xf32, #tpu.memory_space<vmem>>, vector<1x16xf32>,
        %get3A_718 = vector.shape_cast %get3A_717 : vector<1x16xf32> to vector<16xf32>
        %mul3A_719 = vector.broadcast %squeeze3A_703 : f32 to vector<16xf32>
        %mul3A_720 = arith.mulf %get3A_718, %mul3A_719 : vector<16xf32>
        %swap3A_721 = arith.index_cast %add3A_701 : i32 to index
        %swap3A_722 = arith.constant 16 : index
        %swap3A_723 = tpu.vector_load %arg10[%swap3A_721, %swap3A_722] {strides = array<i32>} : memref<128x64xf32, #tpu.memory_space<vmem>>, vector<1x16xf32>,
        %swap3A_724 = vector.shape_cast %swap3A_723 : vector<1x16xf32> to vector<16xf32>
        %swap3A_725 = vector.shape_cast %mul3A_720 : vector<16xf32> to vector<1x16xf32>
        tpu.vector_store %arg10[%swap3A_721, %swap3A_722], %swap3A_725 {strides = array<i32>} : memref<128x64xf32, #tpu.memory_space<vmem>>, vector<1x16xf32>,
        %get3A_726 = arith.index_cast %add3A_701 : i32 to index
        %get3A_727 = arith.constant 32 : index
        %get3A_728 = tpu.vector_load %arg10[%get3A_726, %get3A_727] {strides = array<i32>} : memref<128x64xf32, #tpu.memory_space<vmem>>, vector<1x16xf32>,
        %get3A_729 = vector.shape_cast %get3A_728 : vector<1x16xf32> to vector<16xf32>
        %mul3A_730 = vector.broadcast %squeeze3A_703 : f32 to vector<16xf32>
        %mul3A_731 = arith.mulf %get3A_729, %mul3A_730 : vector<16xf32>
        %swap3A_732 = arith.index_cast %add3A_701 : i32 to index
        %swap3A_733 = arith.constant 32 : index
        %swap3A_734 = tpu.vector_load %arg10[%swap3A_732, %swap3A_733] {strides = array<i32>} : memref<128x64xf32, #tpu.memory_space<vmem>>, vector<1x16xf32>,
        %swap3A_735 = vector.shape_cast %swap3A_734 : vector<1x16xf32> to vector<16xf32>
        %swap3A_736 = vector.shape_cast %mul3A_731 : vector<16xf32> to vector<1x16xf32>
        tpu.vector_store %arg10[%swap3A_732, %swap3A_733], %swap3A_736 {strides = array<i32>} : memref<128x64xf32, #tpu.memory_space<vmem>>, vector<1x16xf32>,
        %get3A_737 = arith.index_cast %add3A_701 : i32 to index
        %get3A_738 = arith.constant 48 : index
        %get3A_739 = tpu.vector_load %arg10[%get3A_737, %get3A_738] {strides = array<i32>} : memref<128x64xf32, #tpu.memory_space<vmem>>, vector<1x16xf32>,
        %get3A_740 = vector.shape_cast %get3A_739 : vector<1x16xf32> to vector<16xf32>
        %mul3A_741 = vector.broadcast %squeeze3A_703 : f32 to vector<16xf32>
        %mul3A_742 = arith.mulf %get3A_740, %mul3A_741 : vector<16xf32>
        %swap3A_743 = arith.index_cast %add3A_701 : i32 to index
        %swap3A_744 = arith.constant 48 : index
        %swap3A_745 = tpu.vector_load %arg10[%swap3A_743, %swap3A_744] {strides = array<i32>} : memref<128x64xf32, #tpu.memory_space<vmem>>, vector<1x16xf32>,
        %swap3A_746 = vector.shape_cast %swap3A_745 : vector<1x16xf32> to vector<16xf32>
        %swap3A_747 = vector.shape_cast %mul3A_742 : vector<16xf32> to vector<1x16xf32>
        tpu.vector_store %arg10[%swap3A_743, %swap3A_744], %swap3A_747 {strides = array<i32>} : memref<128x64xf32, #tpu.memory_space<vmem>>, vector<1x16xf32>,
        %mul3A_748 = arith.constant 16 : i32
        %mul3A_749 = arith.muli %mul3A_748, %scan3A_45 : i32
        %add3A_750 = arith.constant 14 : i32
        %add3A_751 = arith.addi %mul3A_749, %add3A_750 : i32
        %slice3A_752 = vector.extract_strided_slice %get3A_50 {offsets = [14], sizes = [1], strides = [1]} : vector<16xf32> to vector<1xf32>
        %squeeze3A_753 = vector.extract %slice3A_752[0] : f32 from vector<1xf32>
        %get3A_754 = arith.index_cast %add3A_751 : i32 to index
        %get3A_755 = arith.constant 0 : index
        %get3A_756 = tpu.vector_load %arg10[%get3A_754, %get3A_755] {strides = array<i32>} : memref<128x64xf32, #tpu.memory_space<vmem>>, vector<1x16xf32>,
        %get3A_757 = vector.shape_cast %get3A_756 : vector<1x16xf32> to vector<16xf32>
        %mul3A_758 = vector.broadcast %squeeze3A_753 : f32 to vector<16xf32>
        %mul3A_759 = arith.mulf %get3A_757, %mul3A_758 : vector<16xf32>
        %swap3A_760 = arith.index_cast %add3A_751 : i32 to index
        %swap3A_761 = arith.constant 0 : index
        %swap3A_762 = tpu.vector_load %arg10[%swap3A_760, %swap3A_761] {strides = array<i32>} : memref<128x64xf32, #tpu.memory_space<vmem>>, vector<1x16xf32>,
        %swap3A_763 = vector.shape_cast %swap3A_762 : vector<1x16xf32> to vector<16xf32>
        %swap3A_764 = vector.shape_cast %mul3A_759 : vector<16xf32> to vector<1x16xf32>
        tpu.vector_store %arg10[%swap3A_760, %swap3A_761], %swap3A_764 {strides = array<i32>} : memref<128x64xf32, #tpu.memory_space<vmem>>, vector<1x16xf32>,
        %get3A_765 = arith.index_cast %add3A_751 : i32 to index
        %get3A_766 = arith.constant 16 : index
        %get3A_767 = tpu.vector_load %arg10[%get3A_765, %get3A_766] {strides = array<i32>} : memref<128x64xf32, #tpu.memory_space<vmem>>, vector<1x16xf32>,
        %get3A_768 = vector.shape_cast %get3A_767 : vector<1x16xf32> to vector<16xf32>
        %mul3A_769 = vector.broadcast %squeeze3A_753 : f32 to vector<16xf32>
        %mul3A_770 = arith.mulf %get3A_768, %mul3A_769 : vector<16xf32>
        %swap3A_771 = arith.index_cast %add3A_751 : i32 to index
        %swap3A_772 = arith.constant 16 : index
        %swap3A_773 = tpu.vector_load %arg10[%swap3A_771, %swap3A_772] {strides = array<i32>} : memref<128x64xf32, #tpu.memory_space<vmem>>, vector<1x16xf32>,
        %swap3A_774 = vector.shape_cast %swap3A_773 : vector<1x16xf32> to vector<16xf32>
        %swap3A_775 = vector.shape_cast %mul3A_770 : vector<16xf32> to vector<1x16xf32>
        tpu.vector_store %arg10[%swap3A_771, %swap3A_772], %swap3A_775 {strides = array<i32>} : memref<128x64xf32, #tpu.memory_space<vmem>>, vector<1x16xf32>,
        %get3A_776 = arith.index_cast %add3A_751 : i32 to index
        %get3A_777 = arith.constant 32 : index
        %get3A_778 = tpu.vector_load %arg10[%get3A_776, %get3A_777] {strides = array<i32>} : memref<128x64xf32, #tpu.memory_space<vmem>>, vector<1x16xf32>,
        %get3A_779 = vector.shape_cast %get3A_778 : vector<1x16xf32> to vector<16xf32>
        %mul3A_780 = vector.broadcast %squeeze3A_753 : f32 to vector<16xf32>
        %mul3A_781 = arith.mulf %get3A_779, %mul3A_780 : vector<16xf32>
        %swap3A_782 = arith.index_cast %add3A_751 : i32 to index
        %swap3A_783 = arith.constant 32 : index
        %swap3A_784 = tpu.vector_load %arg10[%swap3A_782, %swap3A_783] {strides = array<i32>} : memref<128x64xf32, #tpu.memory_space<vmem>>, vector<1x16xf32>,
        %swap3A_785 = vector.shape_cast %swap3A_784 : vector<1x16xf32> to vector<16xf32>
        %swap3A_786 = vector.shape_cast %mul3A_781 : vector<16xf32> to vector<1x16xf32>
        tpu.vector_store %arg10[%swap3A_782, %swap3A_783], %swap3A_786 {strides = array<i32>} : memref<128x64xf32, #tpu.memory_space<vmem>>, vector<1x16xf32>,
        %get3A_787 = arith.index_cast %add3A_751 : i32 to index
        %get3A_788 = arith.constant 48 : index
        %get3A_789 = tpu.vector_load %arg10[%get3A_787, %get3A_788] {strides = array<i32>} : memref<128x64xf32, #tpu.memory_space<vmem>>, vector<1x16xf32>,
        %get3A_790 = vector.shape_cast %get3A_789 : vector<1x16xf32> to vector<16xf32>
        %mul3A_791 = vector.broadcast %squeeze3A_753 : f32 to vector<16xf32>
        %mul3A_792 = arith.mulf %get3A_790, %mul3A_791 : vector<16xf32>
        %swap3A_793 = arith.index_cast %add3A_751 : i32 to index
        %swap3A_794 = arith.constant 48 : index
        %swap3A_795 = tpu.vector_load %arg10[%swap3A_793, %swap3A_794] {strides = array<i32>} : memref<128x64xf32, #tpu.memory_space<vmem>>, vector<1x16xf32>,
        %swap3A_796 = vector.shape_cast %swap3A_795 : vector<1x16xf32> to vector<16xf32>
        %swap3A_797 = vector.shape_cast %mul3A_792 : vector<16xf32> to vector<1x16xf32>
        tpu.vector_store %arg10[%swap3A_793, %swap3A_794], %swap3A_797 {strides = array<i32>} : memref<128x64xf32, #tpu.memory_space<vmem>>, vector<1x16xf32>,
        %mul3A_798 = arith.constant 16 : i32
        %mul3A_799 = arith.muli %mul3A_798, %scan3A_45 : i32
        %add3A_800 = arith.constant 15 : i32
        %add3A_801 = arith.addi %mul3A_799, %add3A_800 : i32
        %slice3A_802 = vector.extract_strided_slice %get3A_50 {offsets = [15], sizes = [1], strides = [1]} : vector<16xf32> to vector<1xf32>
        %squeeze3A_803 = vector.extract %slice3A_802[0] : f32 from vector<1xf32>
        %get3A_804 = arith.index_cast %add3A_801 : i32 to index
        %get3A_805 = arith.constant 0 : index
        %get3A_806 = tpu.vector_load %arg10[%get3A_804, %get3A_805] {strides = array<i32>} : memref<128x64xf32, #tpu.memory_space<vmem>>, vector<1x16xf32>,
        %get3A_807 = vector.shape_cast %get3A_806 : vector<1x16xf32> to vector<16xf32>
        %mul3A_808 = vector.broadcast %squeeze3A_803 : f32 to vector<16xf32>
        %mul3A_809 = arith.mulf %get3A_807, %mul3A_808 : vector<16xf32>
        %swap3A_810 = arith.index_cast %add3A_801 : i32 to index
        %swap3A_811 = arith.constant 0 : index
        %swap3A_812 = tpu.vector_load %arg10[%swap3A_810, %swap3A_811] {strides = array<i32>} : memref<128x64xf32, #tpu.memory_space<vmem>>, vector<1x16xf32>,
        %swap3A_813 = vector.shape_cast %swap3A_812 : vector<1x16xf32> to vector<16xf32>
        %swap3A_814 = vector.shape_cast %mul3A_809 : vector<16xf32> to vector<1x16xf32>
        tpu.vector_store %arg10[%swap3A_810, %swap3A_811], %swap3A_814 {strides = array<i32>} : memref<128x64xf32, #tpu.memory_space<vmem>>, vector<1x16xf32>,
        %get3A_815 = arith.index_cast %add3A_801 : i32 to index
        %get3A_816 = arith.constant 16 : index
        %get3A_817 = tpu.vector_load %arg10[%get3A_815, %get3A_816] {strides = array<i32>} : memref<128x64xf32, #tpu.memory_space<vmem>>, vector<1x16xf32>,
        %get3A_818 = vector.shape_cast %get3A_817 : vector<1x16xf32> to vector<16xf32>
        %mul3A_819 = vector.broadcast %squeeze3A_803 : f32 to vector<16xf32>
        %mul3A_820 = arith.mulf %get3A_818, %mul3A_819 : vector<16xf32>
        %swap3A_821 = arith.index_cast %add3A_801 : i32 to index
        %swap3A_822 = arith.constant 16 : index
        %swap3A_823 = tpu.vector_load %arg10[%swap3A_821, %swap3A_822] {strides = array<i32>} : memref<128x64xf32, #tpu.memory_space<vmem>>, vector<1x16xf32>,
        %swap3A_824 = vector.shape_cast %swap3A_823 : vector<1x16xf32> to vector<16xf32>
        %swap3A_825 = vector.shape_cast %mul3A_820 : vector<16xf32> to vector<1x16xf32>
        tpu.vector_store %arg10[%swap3A_821, %swap3A_822], %swap3A_825 {strides = array<i32>} : memref<128x64xf32, #tpu.memory_space<vmem>>, vector<1x16xf32>,
        %get3A_826 = arith.index_cast %add3A_801 : i32 to index
        %get3A_827 = arith.constant 32 : index
        %get3A_828 = tpu.vector_load %arg10[%get3A_826, %get3A_827] {strides = array<i32>} : memref<128x64xf32, #tpu.memory_space<vmem>>, vector<1x16xf32>,
        %get3A_829 = vector.shape_cast %get3A_828 : vector<1x16xf32> to vector<16xf32>
        %mul3A_830 = vector.broadcast %squeeze3A_803 : f32 to vector<16xf32>
        %mul3A_831 = arith.mulf %get3A_829, %mul3A_830 : vector<16xf32>
        %swap3A_832 = arith.index_cast %add3A_801 : i32 to index
        %swap3A_833 = arith.constant 32 : index
        %swap3A_834 = tpu.vector_load %arg10[%swap3A_832, %swap3A_833] {strides = array<i32>} : memref<128x64xf32, #tpu.memory_space<vmem>>, vector<1x16xf32>,
        %swap3A_835 = vector.shape_cast %swap3A_834 : vector<1x16xf32> to vector<16xf32>
        %swap3A_836 = vector.shape_cast %mul3A_831 : vector<16xf32> to vector<1x16xf32>
        tpu.vector_store %arg10[%swap3A_832, %swap3A_833], %swap3A_836 {strides = array<i32>} : memref<128x64xf32, #tpu.memory_space<vmem>>, vector<1x16xf32>,
        %get3A_837 = arith.index_cast %add3A_801 : i32 to index
        %get3A_838 = arith.constant 48 : index
        %get3A_839 = tpu.vector_load %arg10[%get3A_837, %get3A_838] {strides = array<i32>} : memref<128x64xf32, #tpu.memory_space<vmem>>, vector<1x16xf32>,
        %get3A_840 = vector.shape_cast %get3A_839 : vector<1x16xf32> to vector<16xf32>
        %mul3A_841 = vector.broadcast %squeeze3A_803 : f32 to vector<16xf32>
        %mul3A_842 = arith.mulf %get3A_840, %mul3A_841 : vector<16xf32>
        %swap3A_843 = arith.index_cast %add3A_801 : i32 to index
        %swap3A_844 = arith.constant 48 : index
        %swap3A_845 = tpu.vector_load %arg10[%swap3A_843, %swap3A_844] {strides = array<i32>} : memref<128x64xf32, #tpu.memory_space<vmem>>, vector<1x16xf32>,
        %swap3A_846 = vector.shape_cast %swap3A_845 : vector<1x16xf32> to vector<16xf32>
        %swap3A_847 = vector.shape_cast %mul3A_842 : vector<16xf32> to vector<1x16xf32>
        tpu.vector_store %arg10[%swap3A_843, %swap3A_844], %swap3A_847 {strides = array<i32>} : memref<128x64xf32, #tpu.memory_space<vmem>>, vector<1x16xf32>,
      }
      %scan3A_44 = arith.constant 8 : i32
      "tpu.region"() ({
        %run_scoped3A = tpu.sem_alloc : memref<!tpu.dma_semaphore, #tpu.memory_space<semaphore_mem>>
        %dma_start3A_45 = arith.constant 0 : i32
        %dma_start3A_46 = tpu.memref_slice %arg8[%scan3A_28, %dma_start3A_45] : memref<40x128xi32, #tpu.memory_space<vmem>> -> memref<1x128xi32, #tpu.memory_space<vmem>>
        %dma_start3A_47 = tpu.memref_squeeze %dma_start3A_46 : memref<1x128xi32, #tpu.memory_space<vmem>> -> memref<128xi32, #tpu.memory_space<vmem>>
        %dma_start3A_48 = arith.constant 0 : i32
        %dma_start3A_49 = arith.constant 0 : i32
        %dma_start3A_50 = tpu.memref_slice %arg11[%dma_start3A_48, %dma_start3A_49] : memref<10240x64xf32, #tpu.memory_space<vmem_shared>> -> memref<10240x64xf32, #tpu.memory_space<vmem_shared>>
        tpu.enqueue_indirect_dma source(%arg10 : memref<128x64xf32, #tpu.memory_space<vmem>>) target(%dma_start3A_50 : memref<10240x64xf32, #tpu.memory_space<vmem_shared>>) offsets(%dma_start3A_47 : memref<128xi32, #tpu.memory_space<vmem>>) semaphore(%run_scoped3A : memref<!tpu.dma_semaphore, #tpu.memory_space<semaphore_mem>>) {add = true}
        %dma_wait3A_51 = arith.constant 0 : i32
        %dma_wait3A_52 = tpu.memref_slice %arg8[%scan3A_28, %dma_wait3A_51] : memref<40x128xi32, #tpu.memory_space<vmem>> -> memref<1x128xi32, #tpu.memory_space<vmem>>
        %dma_wait3A_53 = tpu.memref_squeeze %dma_wait3A_52 : memref<1x128xi32, #tpu.memory_space<vmem>> -> memref<128xi32, #tpu.memory_space<vmem>>
        %dma_wait3A_54 = arith.constant 0 : i32
        %dma_wait3A_55 = arith.constant 0 : i32
        %dma_wait3A_56 = tpu.memref_slice %arg11[%dma_wait3A_54, %dma_wait3A_55] : memref<10240x64xf32, #tpu.memory_space<vmem_shared>> -> memref<10240x64xf32, #tpu.memory_space<vmem_shared>>
        tpu.wait_indirect_dma semaphore(%run_scoped3A : memref<!tpu.dma_semaphore, #tpu.memory_space<semaphore_mem>>) src(%arg10 : memref<128x64xf32, #tpu.memory_space<vmem>>) dst(%dma_wait3A_56 : memref<10240x64xf32, #tpu.memory_space<vmem_shared>>)
        tpu.yield
      }) : () -> ()
    }
    %scan3A_26 = arith.constant 40 : i32
    %barrier3A_27 = arith.constant 0 : index
    tpu.barrier barrier_id(%barrier3A_27)
    "tpu.region"() ({
      %run_scoped3A = tpu.sem_alloc : memref<!tpu.dma_semaphore, #tpu.memory_space<semaphore_mem>>
      %dma_start3A = arith.constant 0 : i32
      %dma_start3A_28 = arith.constant 0 : i32
      %dma_start3A_29 = tpu.memref_slice %arg6[%arg0, %dma_start3A, %dma_start3A_28] : memref<2x10240x64xf32, #tpu.memory_space<hbm>> -> memref<1x10240x64xf32, #tpu.memory_space<hbm>>
      %dma_start3A_30 = tpu.memref_squeeze %dma_start3A_29 : memref<1x10240x64xf32, #tpu.memory_space<hbm>> -> memref<10240x64xf32, #tpu.memory_space<hbm>>
      %dma_start3A_31 = arith.constant 0 : i32
      %dma_start3A_32 = tpu.memref_slice %dma_start3A_30[%mul3A_8, %dma_start3A_31] : memref<10240x64xf32, #tpu.memory_space<hbm>> -> memref<640x64xf32, #tpu.memory_space<hbm>>
      %dma_start3A_33 = arith.constant 0 : i32
      %dma_start3A_34 = tpu.memref_slice %arg11[%mul3A_8, %dma_start3A_33] : memref<10240x64xf32, #tpu.memory_space<vmem_shared>> -> memref<640x64xf32, #tpu.memory_space<vmem_shared>>
      tpu.enqueue_dma source(%dma_start3A_34 : memref<640x64xf32, #tpu.memory_space<vmem_shared>>) target(%dma_start3A_32 : memref<640x64xf32, #tpu.memory_space<hbm>>) target_semaphore(%run_scoped3A : memref<!tpu.dma_semaphore, #tpu.memory_space<semaphore_mem>>)
      %dma_wait3A = arith.constant 0 : i32
      %dma_wait3A_35 = arith.constant 0 : i32
      %dma_wait3A_36 = tpu.memref_slice %arg6[%arg0, %dma_wait3A, %dma_wait3A_35] : memref<2x10240x64xf32, #tpu.memory_space<hbm>> -> memref<1x10240x64xf32, #tpu.memory_space<hbm>>
      %dma_wait3A_37 = tpu.memref_squeeze %dma_wait3A_36 : memref<1x10240x64xf32, #tpu.memory_space<hbm>> -> memref<10240x64xf32, #tpu.memory_space<hbm>>
      %dma_wait3A_38 = arith.constant 0 : i32
      %dma_wait3A_39 = tpu.memref_slice %dma_wait3A_37[%mul3A_8, %dma_wait3A_38] : memref<10240x64xf32, #tpu.memory_space<hbm>> -> memref<640x64xf32, #tpu.memory_space<hbm>>
      %dma_wait3A_40 = arith.constant 0 : i32
      %dma_wait3A_41 = tpu.memref_slice %arg11[%mul3A_8, %dma_wait3A_40] : memref<10240x64xf32, #tpu.memory_space<vmem_shared>> -> memref<640x64xf32, #tpu.memory_space<vmem_shared>>
      tpu.wait_dma2 semaphore(%run_scoped3A : memref<!tpu.dma_semaphore, #tpu.memory_space<semaphore_mem>>) src(%dma_wait3A_41 : memref<640x64xf32, #tpu.memory_space<vmem_shared>>) dst(%dma_wait3A_39 : memref<640x64xf32, #tpu.memory_space<hbm>>)
      tpu.yield
    }) : () -> ()
    return
  }
}

module attributes {stable_mosaic.version = 14 : i64} {
  func.func @_mm_body(%arg0: i32, %arg1: memref<2000x128xf32, #tpu.memory_space<vmem>>, %arg2: memref<128x64xf32, #tpu.memory_space<vmem>>, %arg3: memref<2000x64xf32, #tpu.memory_space<vmem>>) attributes {dimension_semantics = [#tpu.dimension_semantics<arbitrary>], iteration_bounds = array<i64: 5>, scalar_prefetch = 0 : i64, scratch_operands = 0 : i64, tpu.core_type = #tpu.core_type<tc>, window_params = [{transform_indices = @transform_0, window_bounds = array<i64: 2000, 128>}, {pipeline_mode = #tpu.pipeline_mode<synchronous>, transform_indices = @transform_1, window_bounds = array<i64: 128, 64>}, {transform_indices = @transform_2, window_bounds = array<i64: 2000, 64>}]} {
    %get3A = arith.constant 0 : index
    %get3A_0 = arith.constant 0 : index
    %get3A_1 = vector.load %arg1[%get3A, %get3A_0] : memref<2000x128xf32, #tpu.memory_space<vmem>>, vector<2000x128xf32>
    %get3A_2 = arith.constant 0 : index
    %get3A_3 = arith.constant 0 : index
    %get3A_4 = vector.load %arg2[%get3A_2, %get3A_3] : memref<128x64xf32, #tpu.memory_space<vmem>>, vector<128x64xf32>
    %dot_general3A = arith.constant dense<0.000000e+00> : vector<2000x64xf32>
    %dot_general3A_5 = tpu.matmul %get3A_1, %get3A_4, %dot_general3A {dimension_numbers = #tpu.dot_dimension_numbers<[1], [0], [0], [1], [0, 0, 1, 1], [], []>, transpose_lhs_hint = false} : vector<2000x128xf32>, vector<128x64xf32>, vector<2000x64xf32> -> vector<2000x64xf32>
    %swap3A = arith.constant 0 : index
    %swap3A_6 = arith.constant 0 : index
    %swap3A_7 = vector.load %arg3[%swap3A, %swap3A_6] : memref<2000x64xf32, #tpu.memory_space<vmem>>, vector<2000x64xf32>
    tpu.vector_store %arg3[%swap3A, %swap3A_6], %dot_general3A_5 {strides = array<i32>} : memref<2000x64xf32, #tpu.memory_space<vmem>>, vector<2000x64xf32>,
    return
  }
  func.func @transform_0(%arg0: i32) -> (i32, i32) {
    %c0_i32 = arith.constant 0 : i32
    %c0_i32_0 = arith.constant 0 : i32
    return %arg0, %c0_i32 : i32, i32
  }
  func.func @transform_1(%arg0: i32) -> (i32, i32) {
    %c0_i32 = arith.constant 0 : i32
    %c0_i32_0 = arith.constant 0 : i32
    %c0_i32_1 = arith.constant 0 : i32
    return %c0_i32, %c0_i32_0 : i32, i32
  }
  func.func @transform_2(%arg0: i32) -> (i32, i32) {
    %c0_i32 = arith.constant 0 : i32
    %c0_i32_0 = arith.constant 0 : i32
    return %arg0, %c0_i32 : i32, i32
  }
}

module attributes {stable_mosaic.version = 14 : i64} {
  func.func @body(%arg0: i32, %arg1: memref<2x2000x64xf32, #tpu.memory_space<vmem>>, %arg2: memref<1x64xf32, #tpu.memory_space<vmem>>, %arg3: memref<64x10xf32, #tpu.memory_space<vmem>>, %arg4: memref<1x10xf32, #tpu.memory_space<vmem>>, %arg5: memref<2000x10xf32, #tpu.memory_space<vmem>>, %arg6: memref<1x1xf32, #tpu.memory_space<vmem>>, %arg7: memref<1x10xf32, #tpu.memory_space<vmem>>) attributes {dimension_semantics = [#tpu.dimension_semantics<arbitrary>], iteration_bounds = array<i64: 5>, scalar_prefetch = 0 : i64, scratch_operands = 1 : i64, tpu.core_type = #tpu.core_type<tc>, window_params = [{transform_indices = @transform_0, window_bounds = array<i64: 2, 2000, 64>}, {pipeline_mode = #tpu.pipeline_mode<synchronous>, transform_indices = @transform_1, window_bounds = array<i64: 1, 64>}, {pipeline_mode = #tpu.pipeline_mode<synchronous>, transform_indices = @transform_2, window_bounds = array<i64: 64, 10>}, {pipeline_mode = #tpu.pipeline_mode<synchronous>, transform_indices = @transform_3, window_bounds = array<i64: 1, 10>}, {transform_indices = @transform_4, window_bounds = array<i64: 2000, 10>}, {pipeline_mode = #tpu.pipeline_mode<synchronous>, transform_indices = @transform_5, window_bounds = array<i64: 1, 1>}]} {
    %eq3A = arith.constant 0 : i32
    %eq3A_0 = arith.cmpi eq, %arg0, %eq3A : i32
    %convert_element_type3A = arith.extui %eq3A_0 : i1 to i32
    %cond3A = arith.constant 0 : i32
    %cond3A_1 = arith.cmpi ne, %convert_element_type3A, %cond3A : i32
    scf.if %cond3A_1 {
      %broadcast_in_dim3A_49 = arith.constant 0.000000e+00 : f32
      %broadcast_in_dim3A_50 = vector.broadcast %broadcast_in_dim3A_49 : f32 to vector<1x10xf32>
      %swap3A_51 = arith.constant 0 : index
      %swap3A_52 = arith.constant 0 : index
      %swap3A_53 = vector.load %arg7[%swap3A_51, %swap3A_52] : memref<1x10xf32, #tpu.memory_space<vmem>>, vector<1x10xf32>
      tpu.vector_store %arg7[%swap3A_51, %swap3A_52], %broadcast_in_dim3A_50 {strides = array<i32>} : memref<1x10xf32, #tpu.memory_space<vmem>>, vector<1x10xf32>,
    } else {
    }
    %get3A = arith.constant 0 : index
    %get3A_2 = arith.constant 0 : index
    %get3A_3 = arith.constant 0 : index
    %get3A_4 = vector.load %arg1[%get3A, %get3A_2, %get3A_3] : memref<2x2000x64xf32, #tpu.memory_space<vmem>>, vector<1x2000x64xf32>
    %get3A_5 = vector.shape_cast %get3A_4 : vector<1x2000x64xf32> to vector<2000x64xf32>
    %get3A_6 = arith.constant 1 : index
    %get3A_7 = arith.constant 0 : index
    %get3A_8 = arith.constant 0 : index
    %get3A_9 = vector.load %arg1[%get3A_6, %get3A_7, %get3A_8] : memref<2x2000x64xf32, #tpu.memory_space<vmem>>, vector<1x2000x64xf32>
    %get3A_10 = vector.shape_cast %get3A_9 : vector<1x2000x64xf32> to vector<2000x64xf32>
    %add3A = arith.addf %get3A_5, %get3A_10 : vector<2000x64xf32>
    %get3A_11 = arith.constant 0 : index
    %get3A_12 = arith.constant 0 : index
    %get3A_13 = vector.load %arg2[%get3A_11, %get3A_12] : memref<1x64xf32, #tpu.memory_space<vmem>>, vector<1x64xf32>
    %add3A_14 = vector.broadcast %get3A_13 : vector<1x64xf32> to vector<2000x64xf32>
    %add3A_15 = arith.addf %add3A, %add3A_14 : vector<2000x64xf32>
    %max3A = arith.constant 0.000000e+00 : f32
    %max3A_16 = vector.broadcast %max3A : f32 to vector<2000x64xf32>
    %max3A_17 = arith.maximumf %add3A_15, %max3A_16 : vector<2000x64xf32>
    %get3A_18 = arith.constant 0 : index
    %get3A_19 = arith.constant 0 : index
    %get3A_20 = vector.load %arg3[%get3A_18, %get3A_19] : memref<64x10xf32, #tpu.memory_space<vmem>>, vector<64x10xf32>
    %dot_general3A = arith.constant dense<0.000000e+00> : vector<2000x10xf32>
    %dot_general3A_21 = tpu.matmul %max3A_17, %get3A_20, %dot_general3A {dimension_numbers = #tpu.dot_dimension_numbers<[1], [0], [0], [1], [0, 0, 1, 1], [], []>, transpose_lhs_hint = false} : vector<2000x64xf32>, vector<64x10xf32>, vector<2000x10xf32> -> vector<2000x10xf32>
    %get3A_22 = arith.constant 0 : index
    %get3A_23 = arith.constant 0 : index
    %get3A_24 = vector.load %arg4[%get3A_22, %get3A_23] : memref<1x10xf32, #tpu.memory_space<vmem>>, vector<1x10xf32>
    %add3A_25 = vector.broadcast %get3A_24 : vector<1x10xf32> to vector<2000x10xf32>
    %add3A_26 = arith.addf %dot_general3A_21, %add3A_25 : vector<2000x10xf32>
    %reduce_max3A = arith.constant dense<0xFF800000> : vector<2000xf32>
    %reduce_max3A_27 = vector.multi_reduction <maximumf>, %add3A_26, %reduce_max3A [1] : vector<2000x10xf32> to vector<2000xf32>
    %broadcast_in_dim3A = vector.shape_cast %reduce_max3A_27 : vector<2000xf32> to vector<2000x1xf32>
    %sub3A = vector.broadcast %broadcast_in_dim3A : vector<2000x1xf32> to vector<2000x10xf32>
    %sub3A_28 = arith.subf %add3A_26, %sub3A : vector<2000x10xf32>
    %exp3A = math.exp %sub3A_28 : vector<2000x10xf32>
    %reduce_sum3A = arith.constant dense<0.000000e+00> : vector<2000xf32>
    %reduce_sum3A_29 = vector.multi_reduction <add>, %exp3A, %reduce_sum3A [1] : vector<2000x10xf32> to vector<2000xf32>
    %broadcast_in_dim3A_30 = vector.shape_cast %reduce_sum3A_29 : vector<2000xf32> to vector<2000x1xf32>
    %div3A = vector.broadcast %broadcast_in_dim3A_30 : vector<2000x1xf32> to vector<2000x10xf32>
    %div3A_31 = arith.divf %exp3A, %div3A : vector<2000x10xf32>
    %swap3A = arith.constant 0 : index
    %swap3A_32 = arith.constant 0 : index
    %swap3A_33 = vector.load %arg5[%swap3A, %swap3A_32] : memref<2000x10xf32, #tpu.memory_space<vmem>>, vector<2000x10xf32>
    tpu.vector_store %arg5[%swap3A, %swap3A_32], %div3A_31 {strides = array<i32>} : memref<2000x10xf32, #tpu.memory_space<vmem>>, vector<2000x10xf32>,
    %get3A_34 = arith.constant 0 : index
    %get3A_35 = arith.constant 0 : index
    %get3A_36 = vector.load %arg7[%get3A_34, %get3A_35] : memref<1x10xf32, #tpu.memory_space<vmem>>, vector<1x10xf32>
    %mul3A = arith.mulf %div3A_31, %div3A_31 : vector<2000x10xf32>
    %reduce_sum3A_37 = arith.constant dense<0.000000e+00> : vector<10xf32>
    %reduce_sum3A_38 = vector.multi_reduction <add>, %mul3A, %reduce_sum3A_37 [0] : vector<2000x10xf32> to vector<10xf32>
    %broadcast_in_dim3A_39 = vector.shape_cast %reduce_sum3A_38 : vector<10xf32> to vector<1x10xf32>
    %add3A_40 = arith.addf %get3A_36, %broadcast_in_dim3A_39 : vector<1x10xf32>
    %swap3A_41 = arith.constant 0 : index
    %swap3A_42 = arith.constant 0 : index
    %swap3A_43 = vector.load %arg7[%swap3A_41, %swap3A_42] : memref<1x10xf32, #tpu.memory_space<vmem>>, vector<1x10xf32>
    tpu.vector_store %arg7[%swap3A_41, %swap3A_42], %add3A_40 {strides = array<i32>} : memref<1x10xf32, #tpu.memory_space<vmem>>, vector<1x10xf32>,
    %eq3A_44 = arith.constant 4 : i32
    %eq3A_45 = arith.cmpi eq, %arg0, %eq3A_44 : i32
    %convert_element_type3A_46 = arith.extui %eq3A_45 : i1 to i32
    %cond3A_47 = arith.constant 0 : i32
    %cond3A_48 = arith.cmpi ne, %convert_element_type3A_46, %cond3A_47 : i32
    scf.if %cond3A_48 {
      %get3A_49 = arith.constant 0 : index
      %get3A_50 = arith.constant 0 : index
      %get3A_51 = vector.load %arg7[%get3A_49, %get3A_50] : memref<1x10xf32, #tpu.memory_space<vmem>>, vector<1x10xf32>
      %add3A_52 = arith.constant 1.000000e-15 : f32
      %add3A_53 = vector.broadcast %add3A_52 : f32 to vector<1x10xf32>
      %add3A_54 = arith.addf %get3A_51, %add3A_53 : vector<1x10xf32>
      %sqrt3A = math.sqrt %add3A_54 : vector<1x10xf32>
      %reduce_sum3A_55 = vector.shape_cast %sqrt3A : vector<1x10xf32> to vector<1x1x10xf32>
      %reduce_sum3A_56 = arith.constant dense<0.000000e+00> : vector<1xf32>
      %reduce_sum3A_57 = vector.multi_reduction <add>, %reduce_sum3A_55, %reduce_sum3A_56 [1, 2] : vector<1x1x10xf32> to vector<1xf32>
      %reduce_sum3A_58 = vector.shape_cast %reduce_sum3A_57 : vector<1xf32> to vector<1x1x1xf32>
      %reduce_sum3A_59 = vector.extract %reduce_sum3A_58[0, 0, 0] : f32 from vector<1x1x1xf32>
      %neg3A = arith.constant 0.000000e+00 : f32
      %neg3A_60 = arith.subf %neg3A, %reduce_sum3A_59 : f32
      %sqrt3A_61 = arith.constant 1.000000e+05 : f32
      %sqrt3A_62 = math.sqrt %sqrt3A_61 : f32
      %div3A_63 = arith.divf %neg3A_60, %sqrt3A_62 : f32
      %reshape3A = vector.broadcast %div3A_63 : f32 to vector<1x1xf32>
      %swap3A_64 = arith.constant 0 : index
      %swap3A_65 = arith.constant 0 : index
      %swap3A_66 = vector.load %arg6[%swap3A_64, %swap3A_65] : memref<1x1xf32, #tpu.memory_space<vmem>>, vector<1x1xf32>
      tpu.vector_store %arg6[%swap3A_64, %swap3A_65], %reshape3A {strides = array<i32>} : memref<1x1xf32, #tpu.memory_space<vmem>>, vector<1x1xf32>,
    } else {
    }
    return
  }
  func.func @transform_0(%arg0: i32) -> (i32, i32, i32) {
    %c0_i32 = arith.constant 0 : i32
    %c0_i32_0 = arith.constant 0 : i32
    %c0_i32_1 = arith.constant 0 : i32
    return %c0_i32, %arg0, %c0_i32_0 : i32, i32, i32
  }
  func.func @transform_1(%arg0: i32) -> (i32, i32) {
    %c0_i32 = arith.constant 0 : i32
    %c0_i32_0 = arith.constant 0 : i32
    %c0_i32_1 = arith.constant 0 : i32
    return %c0_i32, %c0_i32_0 : i32, i32
  }
  func.func @transform_2(%arg0: i32) -> (i32, i32) {
    %c0_i32 = arith.constant 0 : i32
    %c0_i32_0 = arith.constant 0 : i32
    %c0_i32_1 = arith.constant 0 : i32
    return %c0_i32, %c0_i32_0 : i32, i32
  }
  func.func @transform_3(%arg0: i32) -> (i32, i32) {
    %c0_i32 = arith.constant 0 : i32
    %c0_i32_0 = arith.constant 0 : i32
    %c0_i32_1 = arith.constant 0 : i32
    return %c0_i32, %c0_i32_0 : i32, i32
  }
  func.func @transform_4(%arg0: i32) -> (i32, i32) {
    %c0_i32 = arith.constant 0 : i32
    %c0_i32_0 = arith.constant 0 : i32
    return %arg0, %c0_i32 : i32, i32
  }
  func.func @transform_5(%arg0: i32) -> (i32, i32) {
    %c0_i32 = arith.constant 0 : i32
    %c0_i32_0 = arith.constant 0 : i32
    %c0_i32_1 = arith.constant 0 : i32
    return %c0_i32, %c0_i32_0 : i32, i32
  }
}

</mosaic_0001>

<sc_bundles>
// kernel: kernel.5.cloned.1.call-start
scs
__scs_entry_jumppad:
0x0: {  	(pc) =	sbr.rel $0x88, $3  }
0x1: {  	(tag) =	ssettag $0x0;
	lr =	simm.s32 $0x1  }
0x2: {  	[smem:$0x3F9A] =	sst lr;
	_ =	strace $0xD0000000  }
0x3: {  	_ = 	snop  }
0x4: {  	_ = 	snop  }
0x5: {  	_ = 	snop  }
0x6: {  	_ = 	snop  }
0x7: {  	_ = 	snop  }
__scs_overlays_trampoline_lowered:
0x8: {  	[smem:$0x3FA9] =	sst s0  }
0x9: {  	[smem:$0x3FAA] =	sst s1  }
0xa: {  	[smem:$0x3FAB] =	sst s2  }
0xb: {  	[smem:$0x3FAC] =	sst s3  }
0xc: {  	[smem:$0x3FAD] =	sst s4  }
0xd: {  	[smem:$0x3FAE] =	sst s5  }
0xe: {  	[smem:$0x3FAF] =	sst s6  }
0xf: {  	[smem:$0x3FB0] =	sst s7  }
0x10: {  	[smem:$0x3FB1] =	sst s8  }
0x11: {  	[smem:$0x3FB2] =	sst s9;
	s0 =	simm.s32 @!p0 $0x0  }
0x12: {  	s1 =	sld [smem:$0x3F98];
	s0 =	simm.s32 @p0 $0x1  }
0x13: {  	[smem:$0x3FB3] =	sst s0;
	s0 =	simm.s32 @!p1 $0x0  }
0x14: {  	s2 =	sld [smem:$0x3F97];
	s0 =	simm.s32 @p1 $0x1  }
0x15: {  	[smem:$0x3FB4] =	sst s0;
	s0 =	simm.s32 @!p2 $0x0  }
0x16: {  	s3 =	sld [smem:$0x3FDB];
	s0 =	simm.s32 @p2 $0x1  }
0x17: {  	s4 =	simm.s32 $0x1BF5;
	[smem:$0x3FB6] =	sst s0  }
0x18: {  	s0 =	sld [smem:$0x3F99];
	_ =	swait.ge [sflag:s4], $0x0  }
0x19: {  	s7 =	sld [smem:$0x3F9A]  }
0x1a: {  	s8 =	sadd.s32 $0xFFFFE003, lr  }
0x1b: {  	s9 =	sadd.s32 $0xFFFFFEF7, lr;
	s5 =	simm.s32 $0xFFFFFFFF;
	p2 =	slt.u32 s8, $0xFFFFF086  }
0x1c: {  	p1 =	slt.u32 s9, $0xF7A;
	s5 =	simm.s32 @!p2 $0x0  }
0x1d: {  	s5 =	simm.s32 @p1 $0x1;
	p0 =	seq.s32 s7, s2  }
0x1e: {  	s7 =	smul.u32 @!p0 $0xF7A, s2;
	p2 =	seq.s32 @!p0 s5, $0x0  }
0x1f: {  	s9 =	smul.u32 $0xF7A, s1;
	s8 =	simm.s32 @!p0 $0x1BF5;
	p2 =	por !p2, p0  }
0x20: {  	[sflag:s8] =	ssyncset.s32 @!p0 $0xFFFFF086;
	s6 =	sadd.s32 @!p0 s3, s7;
	s7 =	simm.s32 @!p0 $0x108  }
0x21: {  	s3 =	sadd.s32 s3, s9;
	s6 =	sadd.s32 @!p0 $0x88, s6;
	s7 =	simm.s32 @p2 $0x1082  }
0x22: {  	[simem:s7], [sflag:s8] =	dma.local @!p0 [hbm:s6], $0xF7A  }
0x23: {  	s9 =	sor.u32 $0xD0000000, s2;
	s6 =	simm.s32 $0x108;
	_ =	swait.ge @!p0 [sflag:s8], $0x0  }
0x24: {  	s3 =	sadd.s32 $0x88, s3;
	s6 =	simm.s32 @!p1 $0x1082;
	[sflag:s4] =	ssyncset.s32 $0xFFFFF086  }
0x25: {  	[simem:s6], [sflag:s4] =	dma.local [hbm:s3], $0xF7A  }
0x26: {  	[smem:$0x3F9A] =	sst s1;
	(tag) =	ssettag s2;
	_ =	strace s9  }
0x27: {  	s1 =	sld [smem:$0x3FAA]  }
0x28: {  	s2 =	sld [smem:$0x3FAB]  }
0x29: {  	s4 =	sld [smem:$0x3FAD]  }
0x2a: {  	p0 =	seq.s32 s5, $0x0;
	s5 =	sld [smem:$0x3FAE]  }
0x2b: {  	s6 =	sld [smem:$0x3FAF]  }
0x2c: {  	s7 =	sld [smem:$0x3FB0]  }
0x2d: {  	s3 =	simm.s32 $0x108;
	s8 =	sld [smem:$0x3FB1]  }
0x2e: {  	s3 =	simm.s32 @!p0 $0x1082;
	s9 =	sld [smem:$0x3FB2]  }
0x2f: {  	lr =	sadd.s32 s0, s3;
	s0 =	sld [smem:$0x3FA9]  }
0x30: {  	s3 =	sld [smem:$0x3FAC]  }
0x31: {  	[smem:$0x3FB5] =	sst s10  }
0x32: {  	s10 =	sld [smem:$0x3FB3];
	_ =	sdelay $0x3  }
0x33: {  	p0 =	seq.s32 s10, $0x1;
	s10 =	sld [smem:$0x3FB5];
	_ =	sdelay $0x3  }
0x34: {  	[smem:$0x3FB5] =	sst s10  }
0x35: {  	s10 =	sld [smem:$0x3FB4];
	_ =	sdelay $0x3  }
0x36: {  	p1 =	seq.s32 s10, $0x1;
	s10 =	sld [smem:$0x3FB5];
	_ =	sdelay $0x3  }
0x37: {  	[smem:$0x3FB5] =	sst s10  }
0x38: {  	s10 =	sld [smem:$0x3FB6]  }
0x39: {  	_ = 	snop;
	(pc) =	sbr.ind lr, $3  }
0x3a: {  	_ = 	snop  }
0x3b: {  	_ = 	snop  }
0x3c: {  	p2 =	seq.s32 s10, $0x1;
	s10 =	sld [smem:$0x3FB5]  }
0x3d: {  	_ =	shalt  }
0x3e: {  	_ =	shalt  }
0x3f: {  	_ =	shalt  }
0x40: {  	_ =	shalt  }
0x41: {  	_ =	shalt  }
0x42: {  	_ =	shalt  }
0x43: {  	_ =	shalt  }
0x44: {  	_ =	shalt  }
0x45: {  	_ =	shalt  }
0x46: {  	_ =	shalt  }
0x47: {  	_ =	shalt  }
0x48: {  	_ =	shalt  }
0x49: {  	_ =	shalt  }
0x4a: {  	_ =	shalt  }
0x4b: {  	_ =	shalt  }
0x4c: {  	_ =	shalt  }
0x4d: {  	_ =	shalt  }
0x4e: {  	_ =	shalt  }
0x4f: {  	_ =	shalt  }
0x50: {  	_ =	shalt  }
0x51: {  	_ =	shalt  }
0x52: {  	_ =	shalt  }
0x53: {  	_ =	shalt  }
0x54: {  	_ =	shalt  }
0x55: {  	_ =	shalt  }
0x56: {  	_ =	shalt  }
0x57: {  	_ =	shalt  }
0x58: {  	_ =	shalt  }
0x59: {  	_ =	shalt  }
0x5a: {  	_ =	shalt  }
0x5b: {  	_ =	shalt  }
0x5c: {  	_ =	shalt  }
0x5d: {  	_ =	shalt  }
0x5e: {  	_ =	shalt  }
0x5f: {  	_ =	shalt  }
0x60: {  	_ =	shalt  }
0x61: {  	_ =	shalt  }
0x62: {  	_ =	shalt  }
0x63: {  	_ =	shalt  }
0x64: {  	_ =	shalt  }
0x65: {  	_ =	shalt  }
0x66: {  	_ =	shalt  }
0x67: {  	_ =	shalt  }
0x68: {  	_ =	shalt  }
0x69: {  	_ =	shalt  }
0x6a: {  	_ =	shalt  }
0x6b: {  	_ =	shalt  }
0x6c: {  	_ =	shalt  }
0x6d: {  	_ =	shalt  }
0x6e: {  	_ =	shalt  }
0x6f: {  	_ =	shalt  }
0x70: {  	_ =	shalt  }
0x71: {  	_ =	shalt  }
0x72: {  	_ =	shalt  }
0x73: {  	_ =	shalt  }
0x74: {  	_ =	shalt  }
0x75: {  	_ =	shalt  }
0x76: {  	_ =	shalt  }
0x77: {  	_ =	shalt  }
0x78: {  	_ =	shalt  }
0x79: {  	_ =	shalt  }
0x7a: {  	_ =	shalt  }
0x7b: {  	_ =	shalt  }
0x7c: {  	_ =	shalt  }
0x7d: {  	_ =	shalt  }
0x7e: {  	_ =	shalt  }
0x7f: {  	_ =	shalt  }
0x80: {  	_ =	shalt  }
0x81: {  	_ =	shalt  }
0x82: {  	_ =	shalt  }
0x83: {  	_ =	shalt  }
0x84: {  	_ =	shalt  }
0x85: {  	_ =	shalt  }
0x86: {  	_ =	shalt  }
0x87: {  	_ =	shalt  }
.Lfunc_end0:
.L_simem_size_0:
called_computation_lowered:
.L_overlay_start_0:
0x88: {  	s2 =	sld [smem:$0x3FD9]  }
0x89: {  	s3 =	sld [smem:$0x3FFE];
	_ =	sdelay $0x1  }
0x8a: {  	s1 =	srdreg.scid  }
0x8b: {  	s0 =	sand.u32 $0x1, s1  }
0x8c: {  	s16 =	sshll.u32 s0, $0xA;
	s2 =	sadd.s32 s3, s2  }
0x8d: {  	s2 =	sadd.s32 s2, s16  }
0x8e: {  	[smem:$0x3FC1] =	sst s2  }
0x8f: {  	_ = 	snop  }
0x90: {  	(tm) =	ssettm $0x1  }
0x91: {  	s17 =	sld [smem:$0x3FFB];
	_ =	sdelay $0x3  }
0x92: {  	_ =	strace s17  }
0x93: {  	s2 =	sld [smem:$0x3FFC];
	_ =	sdelay $0x3  }
0x94: {  	_ =	strace s2  }
0x95: {  	s2 =	sld [smem:$0x3FFD];
	_ =	sdelay $0x3  }
0x96: {  	_ =	strace s2  }
0x97: {  	_ =	strace $0x8FFFFFFF  }
0x98: {  	s18 =	sld [smem:$0x3FDB];
	_ =	sdelay $0x1  }
0x99: {  	s19 =	simm.s32 $_scs_section_size  }
0x9a: {  	s4 =	simm.s32 $_size__tile_overlayer_lowered;
	s5 =	simm.s32 $_tile_overlayer_lowered  }
0x9b: {  	s22 =	simm.s32 $0x1BFF;
	s21 =	sshll.u32 s5, $0x1;
	s2 =	sadd.s32 s19, s18  }
0x9c: {  	s6 =	simm.s32 $0x0;
	s20 =	sshll.u32 s4, $0x1;
	s4 =	sadd.s32 s21, s2  }
0x9d: {  	[timem:s6], [sflag:s22] =	dma.local [hbm:s4], s20  }
0x9e: {  	_ =	swait.ge [sflag:s22], s20  }
0x9f: {  	s3 =	ssub.s32 $0x0, s20;
	[sflag:s22] =	ssyncset.done $0x0  }
0xa0: {  	[sflag:s22] =	ssyncadd.s32 s3;
	_ =	sdelay $0x1  }
0xa1: {  	s23 =	simm.s32 $0x1B8B  }
0xa2: {  	_ =	swait.ge [sflag:s23], $0x1  }
0xa3: {  	[sflag:s23] =	ssyncset.done $0x0  }
0xa4: {  	s25 =	simm.s32 $0x1B8E;
	s24 =	sld [smem:$0x3FFE];
	[sflag:s23] =	ssyncadd.s32 $0xFFFFFFFF  }
0xa5: {  	s26 =	simm.s32 $execute0_lowered;
	[smem:$0x3FD2] =	sst s25  }
0xa6: {  	s4 =	sshll.u32 s26, $0x1;
	_ =	strace $0x80000046;
	[dreg:$0x1] =	wrdreg $0xFFFFFFFF  }
0xa7: {  	s28 =	simm.s32 $_size_execute0_lowered;
	s2 =	sadd.s32 s2, s4;
	[dreg:$0x0] =	wrdreg $0x0  }
0xa8: {  	s4 =	sshll.u32 s28, $0x1;
	[dreg:$0x2] =	wrdreg s2  }
0xa9: {  	[dreg:$0x3] =	wrdreg s4  }
0xaa: {  	[dreg:$0x4] =	wrdreg $0xC0  }
0xab: {  	_ =	task [dreg:s6], $0x5FFFF  }
0xac: {  	[dreg:$0x1] =	wrdreg $0xFFFFFFFF  }
0xad: {  	[dreg:$0x0] =	wrdreg $0x60  }
0xae: {  	[dreg:$0x2] =	wrdreg s24  }
0xaf: {  	[dreg:$0x3] =	wrdreg $0x5C000  }
0xb0: {  	[dreg:$0x4] =	wrdreg $0x9  }
0xb1: {  	_ =	task.clear_ibuf [dreg:s6], $0x5FFFF;
	_ =	strace $0x90000046  }
0xb2: {  	s29 =	simm.s32 $0x9;
	_ =	strace $0x80000048  }
0xb3: {  	_ =	swait.ge [sflag:s29], $0x1  }
0xb4: {  	[sflag:s29] =	ssyncadd.s32 $0xFFFFFFFF  }
0xb5: {  	_ =	strace $0x90000048  }
0xb6: {  	_ =	sfence  }
0xb7: {  	s30 =	sld [smem:$0x0];
	_ =	sdelay $0x2  }
0xb8: {  	s31 =	sshll.u32 s1, $0xD;
	s1 =	sshrl.u32 s1, $0x2  }
0xb9: {  	s3 =	sand.u32 $0x4000, s31;
	s1 =	sadd.s32 s1, s30  }
0xba: {  	s0 =	sor.u32 s3, s0;
	s1 =	sshll.u32 s1, $0x11  }
0xbb: {  	s0 =	sor.u32 s1, s0  }
0xbc: {  	s0 =	sadd.s32 $0x8F2B, s0  }
0xbd: {  	[sflag:s0] =	ssyncadd.remote.s32 $0x1  }
0xbe: {  	_ =	sfence.sel $0xFFFF  }
0xbf: {  	[dreg:$0x0] =	wrdreg $0xFFFFFFFF;
	(pc) =	sbr.abs _section_cstart, $3  }
0xc0: {  	[dreg:$0x1] =	wrdreg $0xFFFFFFFF  }
0xc1: {  	_ =	task.clear_ibuf [dreg:s6], $0x2FFFF;
	_ =	strace $0x9FFFFFFF  }
0xc2: {  	(tm) =	ssettm $0x7FFFFFFF  }
0xc3: {  	_ =	shalt  }
tec
execute0_lowered:
.L_overlay_start_1:
0x0: {  	(tag) =	ssettag $0x1  }
0x1: {  	s5 =	rddreg [dreg:$0x0];
	s1 =	srdreg.scid  }
0x2: {  	s0 =	stileid.u32;
	s2 =	rddreg [dreg:$0x1]  }
0x3: {  	s3 =	simm.s32 $0x0;
	s16 =	simm.s32 $0x1400;
	s17 =	simm.s32 $0x80  }
0x4: {  	s18 =	simm.s32 $0x1;
	s6 =	sand.u32 $0x1, s1;
	s8 =	smul.u32 $0x28000, s0  }
0x5: {  	s4 =	sshll.u32 s0, $0x1;
	s1 =	rddreg [dreg:$0x2];
	s13 =	smul.u32 $0xA000, s0  }
0x6: {  	[smem:$0x7FF] =	sst s3;
	s4 =	sor.u32 s6, s4;
	s30 =	smul.u32 $0x14000, s6  }
0x7: {  	_ =	strace $0x80000047;
	s6 =	ssub.s32 $0x2, s6;
	s7 =	smul.u32 $0x280, s4  }
0x8: {  	s4 =	sadd.s32 $0xAA00, s5;
	s8 =	sshrl.u32 s8, $0x2;
	s31 =	sshrl.u32 s6, $0x1  }
0x9: {  	s20 =	sshrl.u32 s13, $0x3;
	s14 =	sadd.s32 s30, s5;
	s9 =	sadd.s32 s8, s2  }
0xa: {  	s15 =	ssub.s32 s6, s31;
	s12 =	sadd.s32 s7, s5;
	s5 =	sadd.s32 s13, s2  }
0xb: {  	s6 =	sadd.s32 $0x2000, s9;
	s7 =	sadd.s32 $0x4000, s9;
	s8 =	sadd.s32 $0x6000, s9  }
0xc: {  	s9 =	sadd.s32 $0x8000, s9;
	s19 =	sadd.s32 $0x23400, s14;
	s13 =	smax.u32 s15, $0x1  }
0xd: {  	s14 =	simm.s32 $0x3C00;
	s15 =	simm.s32 $0x2;
	s10 =	sadd.s32 $0x5A00, s12  }
0xe: {  	v0 =	vimm.f32 $0.0e+00;
	s11 =	sadd.s32 $0xA00, s12;
	s12 =	sadd.s32 $0x1E400, s12;
	s19 =	sadd.s32 s20, s19  }
.LBB2_1:
0xf: {  	s21 =	simm.s32 $0x100;
	s20 =	simm.s32 $0x0  }
.LBB2_2:
0x10: {  	p0 =	sne.s32 s21, $0x7F00;
	[tilespmem:s20+$0x3C30] =	vst v0;
	s22 =	smov.u32 s21;
	s21 =	sadd.s32 $0x100, s21  }
.Ltmp0:
0x11: {  	[tilespmem:s20+$0x3C20] =	vst v0;
	(pc) =	sbr.rel @p0 .LBB2_2-.Ltmp0, $3  }
0x12: {  	[tilespmem:s20+$0x3C00] =	vst v0  }
0x13: {  	[tilespmem:s20+$0x3C10] =	vst v0;
	_ =	sdelay $0x1  }
0x14: {  	s20 =	sshra.s32 s22, $0x2  }
0x15: {  	[tilespmem:s20+$0x3C30] =	vst v0  }
0x16: {  	[tilespmem:s20+$0x3C20] =	vst v0  }
0x17: {  	[tilespmem:s20+$0x3C00] =	vst v0  }
0x18: {  	[tilespmem:s20+$0x3C10] =	vst v0  }
0x19: {  	[spmem:s5] =	stream.linear.scatter [tilespmem:s14], [sflag:$0x2], $0x2000, $0x38;
	[tilespmem:$0xFC00] =	vst v63  }
0x1a: {  	_ =	swait.ge [sflag:s15], $0x2000  }
0x1b: {  	[sflag:s15] =	ssyncset.done $0x0  }
0x1c: {  	[sflag:s15] =	ssyncadd.s32 $0xFFFFE000  }
0x1d: {  	[spmem:s6] =	stream.linear.scatter [tilespmem:s14], [sflag:$0x2], $0x2000, $0x38;
	[tilespmem:$0xFC00] =	vst v63  }
0x1e: {  	_ =	swait.ge [sflag:s15], $0x2000  }
0x1f: {  	[sflag:s15] =	ssyncset.done $0x0  }
0x20: {  	[sflag:s15] =	ssyncadd.s32 $0xFFFFE000  }
0x21: {  	[spmem:s7] =	stream.linear.scatter [tilespmem:s14], [sflag:$0x2], $0x2000, $0x38;
	[tilespmem:$0xFC00] =	vst v63  }
0x22: {  	_ =	swait.ge [sflag:s15], $0x2000  }
0x23: {  	[sflag:s15] =	ssyncset.done $0x0  }
0x24: {  	[sflag:s15] =	ssyncadd.s32 $0xFFFFE000  }
0x25: {  	[spmem:s8] =	stream.linear.scatter [tilespmem:s14], [sflag:$0x2], $0x2000, $0x38;
	[tilespmem:$0xFC00] =	vst v63  }
0x26: {  	_ =	swait.ge [sflag:s15], $0x2000  }
0x27: {  	[sflag:s15] =	ssyncset.done $0x0  }
0x28: {  	[sflag:s15] =	ssyncadd.s32 $0xFFFFE000  }
0x29: {  	[spmem:s9] =	stream.linear.scatter [tilespmem:s14], [sflag:$0x2], $0x2000, $0x38;
	[tilespmem:$0xFC00] =	vst v63  }
0x2a: {  	_ =	swait.ge [sflag:s15], $0x2000  }
0x2b: {  	[sflag:s15] =	ssyncset.done $0x0  }
0x2c: {  	[sflag:s15] =	ssyncadd.s32 $0xFFFFE000  }
0x2d: {  	s20 =	simm.s32 $0x0;
	[bflag:$0x0] =	sbarrier.arrive $0xFFFF  }
0x2e: {  	[tilespmem:s20], [sflag:$0x2] =	stream.linear.gather [hbm4b:s10+s20], $0x1400, $0x38;
	[tilespmem:$0xFC00] =	vst v63  }
0x2f: {  	_ =	swait.ge [sflag:s15], $0x1400  }
0x30: {  	[sflag:s15] =	ssyncset.done $0x0  }
0x31: {  	[sflag:s15] =	ssyncadd.s32 $0xFFFFEC00  }
0x32: {  	[tilespmem:s16], [sflag:$0x2] =	stream.linear.gather [hbm4b:s11+s20], $0x1400, $0x38;
	[tilespmem:$0xFC00] =	vst v63  }
0x33: {  	_ =	swait.ge [sflag:s15], $0x1400  }
0x34: {  	[sflag:s15] =	ssyncset.done $0x0  }
0x35: {  	s21 =	simm.s32 $0x2800;
	[sflag:s15] =	ssyncadd.s32 $0xFFFFEC00  }
0x36: {  	[tilespmem:s21], [sflag:$0x2] =	stream.linear.gather [hbm4b:s12+s20], $0x1400, $0x38;
	[tilespmem:$0xFC00] =	vst v63  }
0x37: {  	_ =	swait.ge [sflag:s15], $0x1400  }
0x38: {  	[sflag:s15] =	ssyncset.done $0x0  }
0x39: {  	[sflag:s15] =	ssyncadd.s32 $0xFFFFEC00  }
.LBB2_4:
0x3a: {  	s22 =	sshll.u32 s20, $0x7  }
0x3b: {  	v1 =	vmov s21;
	[tilespmem:s14], [sflag:$0x1] =	stream.indirect.gather [hbm4b:s4+s17], $0x40, s22, s17, $0xb8;
	[tilespmem:$0xFC00] =	vst v63  }
0x3c: {  	_ =	swait.ge [sflag:s18], $0x2000  }
0x3d: {  	[sflag:s18] =	ssyncset.done $0x0  }
0x3e: {  	s23 =	simm.s32 $0x3E00;
	s24 =	simm.s32 $0x0;
	[sflag:s18] =	ssyncadd.s32 $0xFFFFE000  }
.LBB2_5:
0x3f: {  	s25 =	sshra.s32 s24, $0x2  }
0x40: {  	v2 =	vld.idx.msk [tilespmem:v1+s25+$0x0 ss:$0x1], $0xffff;
	_ =	sdelay $0x1  }
0x41: {  	v3 =	vld [tilespmem:s23+$0xFFFFFE00];
	_ =	sdelay $0x2  }
0x42: {  	v4 =	vbroadcast v2, $0x0;
	_ =	sdelay $0x1  }
0x43: {  	v3 =	vmul.f32 v4, v3;
	_ =	sdelay $0x1  }
0x44: {  	[tilespmem:s23+$0xFFFFFE00] =	vst v3;
	v3 =	vld [tilespmem:s23+$0xFFFFFE10];
	_ =	sdelay $0x4  }
0x45: {  	v3 =	vmul.f32 v3, v4;
	_ =	sdelay $0x1  }
0x46: {  	[tilespmem:s23+$0xFFFFFE10] =	vst v3;
	v3 =	vld [tilespmem:s23+$0xFFFFFE20];
	_ =	sdelay $0x4  }
0x47: {  	v3 =	vmul.f32 v3, v4;
	_ =	sdelay $0x1  }
0x48: {  	[tilespmem:s23+$0xFFFFFE20] =	vst v3;
	v3 =	vld [tilespmem:s23+$0xFFFFFE30];
	_ =	sdelay $0x4  }
0x49: {  	v3 =	vmul.f32 v3, v4;
	_ =	sdelay $0x1  }
0x4a: {  	[tilespmem:s23+$0xFFFFFE30] =	vst v3;
	v3 =	vld [tilespmem:s23+$0xFFFFFE40];
	_ =	sdelay $0x2  }
0x4b: {  	v50 =	vbroadcast v2, $0x1;
	_ =	sdelay $0x1  }
0x4c: {  	v3 =	vmul.f32 v3, v50;
	_ =	sdelay $0x1  }
0x4d: {  	[tilespmem:s23+$0xFFFFFE40] =	vst v3;
	v3 =	vld [tilespmem:s23+$0xFFFFFE50];
	_ =	sdelay $0x4  }
0x4e: {  	v3 =	vmul.f32 v3, v50;
	_ =	sdelay $0x1  }
0x4f: {  	[tilespmem:s23+$0xFFFFFE50] =	vst v3;
	v3 =	vld [tilespmem:s23+$0xFFFFFE60];
	_ =	sdelay $0x4  }
0x50: {  	v3 =	vmul.f32 v3, v50;
	_ =	sdelay $0x1  }
0x51: {  	[tilespmem:s23+$0xFFFFFE60] =	vst v3;
	v3 =	vld [tilespmem:s23+$0xFFFFFE70];
	_ =	sdelay $0x4  }
0x52: {  	v3 =	vmul.f32 v3, v50;
	_ =	sdelay $0x1  }
0x53: {  	[tilespmem:s23+$0xFFFFFE70] =	vst v3;
	v3 =	vld [tilespmem:s23+$0xFFFFFE80];
	_ =	sdelay $0x2  }
0x54: {  	v51 =	vbroadcast v2, $0x2;
	_ =	sdelay $0x1  }
0x55: {  	v3 =	vmul.f32 v3, v51;
	_ =	sdelay $0x1  }
0x56: {  	[tilespmem:s23+$0xFFFFFE80] =	vst v3;
	v3 =	vld [tilespmem:s23+$0xFFFFFE90];
	_ =	sdelay $0x4  }
0x57: {  	v3 =	vmul.f32 v3, v51;
	_ =	sdelay $0x1  }
0x58: {  	[tilespmem:s23+$0xFFFFFE90] =	vst v3;
	v3 =	vld [tilespmem:s23+$0xFFFFFEA0];
	_ =	sdelay $0x4  }
0x59: {  	v3 =	vmul.f32 v3, v51;
	_ =	sdelay $0x1  }
0x5a: {  	[tilespmem:s23+$0xFFFFFEA0] =	vst v3;
	v3 =	vld [tilespmem:s23+$0xFFFFFEB0];
	_ =	sdelay $0x4  }
0x5b: {  	v3 =	vmul.f32 v3, v51;
	_ =	sdelay $0x1  }
0x5c: {  	[tilespmem:s23+$0xFFFFFEB0] =	vst v3;
	v3 =	vld [tilespmem:s23+$0xFFFFFEC0];
	_ =	sdelay $0x2  }
0x5d: {  	v52 =	vbroadcast v2, $0x3;
	_ =	sdelay $0x1  }
0x5e: {  	v3 =	vmul.f32 v3, v52;
	_ =	sdelay $0x1  }
0x5f: {  	[tilespmem:s23+$0xFFFFFEC0] =	vst v3;
	v3 =	vld [tilespmem:s23+$0xFFFFFED0];
	_ =	sdelay $0x4  }
0x60: {  	v3 =	vmul.f32 v3, v52;
	_ =	sdelay $0x1  }
0x61: {  	[tilespmem:s23+$0xFFFFFED0] =	vst v3;
	v3 =	vld [tilespmem:s23+$0xFFFFFEE0];
	_ =	sdelay $0x4  }
0x62: {  	v3 =	vmul.f32 v3, v52;
	_ =	sdelay $0x1  }
0x63: {  	[tilespmem:s23+$0xFFFFFEE0] =	vst v3;
	v3 =	vld [tilespmem:s23+$0xFFFFFEF0];
	_ =	sdelay $0x4  }
0x64: {  	v3 =	vmul.f32 v3, v52;
	_ =	sdelay $0x1  }
0x65: {  	[tilespmem:s23+$0xFFFFFEF0] =	vst v3;
	v3 =	vld [tilespmem:s23+$0xFFFFFF00];
	_ =	sdelay $0x2  }
0x66: {  	v53 =	vbroadcast v2, $0x4;
	_ =	sdelay $0x1  }
0x67: {  	v3 =	vmul.f32 v3, v53;
	_ =	sdelay $0x1  }
0x68: {  	[tilespmem:s23+$0xFFFFFF00] =	vst v3;
	v3 =	vld [tilespmem:s23+$0xFFFFFF10];
	_ =	sdelay $0x4  }
0x69: {  	v3 =	vmul.f32 v3, v53;
	_ =	sdelay $0x1  }
0x6a: {  	[tilespmem:s23+$0xFFFFFF10] =	vst v3;
	v3 =	vld [tilespmem:s23+$0xFFFFFF20];
	_ =	sdelay $0x4  }
0x6b: {  	v3 =	vmul.f32 v3, v53;
	_ =	sdelay $0x1  }
0x6c: {  	[tilespmem:s23+$0xFFFFFF20] =	vst v3;
	v3 =	vld [tilespmem:s23+$0xFFFFFF30];
	_ =	sdelay $0x4  }
0x6d: {  	v3 =	vmul.f32 v3, v53;
	_ =	sdelay $0x1  }
0x6e: {  	[tilespmem:s23+$0xFFFFFF30] =	vst v3;
	v3 =	vld [tilespmem:s23+$0xFFFFFF40];
	_ =	sdelay $0x2  }
0x6f: {  	v54 =	vbroadcast v2, $0x5;
	_ =	sdelay $0x1  }
0x70: {  	v3 =	vmul.f32 v3, v54;
	_ =	sdelay $0x1  }
0x71: {  	[tilespmem:s23+$0xFFFFFF40] =	vst v3;
	v3 =	vld [tilespmem:s23+$0xFFFFFF50];
	_ =	sdelay $0x4  }
0x72: {  	v3 =	vmul.f32 v3, v54;
	_ =	sdelay $0x1  }
0x73: {  	[tilespmem:s23+$0xFFFFFF50] =	vst v3;
	v3 =	vld [tilespmem:s23+$0xFFFFFF60];
	_ =	sdelay $0x4  }
0x74: {  	v3 =	vmul.f32 v3, v54;
	_ =	sdelay $0x1  }
0x75: {  	[tilespmem:s23+$0xFFFFFF60] =	vst v3;
	v3 =	vld [tilespmem:s23+$0xFFFFFF70];
	_ =	sdelay $0x4  }
0x76: {  	v3 =	vmul.f32 v3, v54;
	_ =	sdelay $0x1  }
0x77: {  	[tilespmem:s23+$0xFFFFFF70] =	vst v3;
	v3 =	vld [tilespmem:s23+$0xFFFFFF80];
	_ =	sdelay $0x2  }
0x78: {  	v55 =	vbroadcast v2, $0x6;
	_ =	sdelay $0x1  }
0x79: {  	v3 =	vmul.f32 v3, v55;
	_ =	sdelay $0x1  }
0x7a: {  	[tilespmem:s23+$0xFFFFFF80] =	vst v3;
	v3 =	vld [tilespmem:s23+$0xFFFFFF90];
	_ =	sdelay $0x4  }
0x7b: {  	v3 =	vmul.f32 v3, v55;
	_ =	sdelay $0x1  }
0x7c: {  	[tilespmem:s23+$0xFFFFFF90] =	vst v3;
	v3 =	vld [tilespmem:s23+$0xFFFFFFA0];
	_ =	sdelay $0x4  }
0x7d: {  	v3 =	vmul.f32 v3, v55;
	_ =	sdelay $0x1  }
0x7e: {  	[tilespmem:s23+$0xFFFFFFA0] =	vst v3;
	v3 =	vld [tilespmem:s23+$0xFFFFFFB0];
	_ =	sdelay $0x4  }
0x7f: {  	v3 =	vmul.f32 v3, v55;
	_ =	sdelay $0x1  }
0x80: {  	[tilespmem:s23+$0xFFFFFFB0] =	vst v3;
	v3 =	vld [tilespmem:s23+$0xFFFFFFC0];
	_ =	sdelay $0x2  }
0x81: {  	v56 =	vbroadcast v2, $0x7;
	_ =	sdelay $0x1  }
0x82: {  	v3 =	vmul.f32 v3, v56;
	_ =	sdelay $0x1  }
0x83: {  	[tilespmem:s23+$0xFFFFFFC0] =	vst v3;
	v3 =	vld [tilespmem:s23+$0xFFFFFFD0];
	_ =	sdelay $0x4  }
0x84: {  	v3 =	vmul.f32 v3, v56;
	_ =	sdelay $0x1  }
0x85: {  	[tilespmem:s23+$0xFFFFFFD0] =	vst v3;
	v3 =	vld [tilespmem:s23+$0xFFFFFFE0];
	_ =	sdelay $0x4  }
0x86: {  	v3 =	vmul.f32 v3, v56;
	_ =	sdelay $0x1  }
0x87: {  	[tilespmem:s23+$0xFFFFFFE0] =	vst v3;
	v3 =	vld [tilespmem:s23+$0xFFFFFFF0];
	_ =	sdelay $0x4  }
0x88: {  	v3 =	vmul.f32 v3, v56;
	_ =	sdelay $0x1  }
0x89: {  	[tilespmem:s23+$0xFFFFFFF0] =	vst v3;
	v3 =	vld [tilespmem:s23+$0x0];
	_ =	sdelay $0x2  }
0x8a: {  	v57 =	vbroadcast v2, $0x8;
	_ =	sdelay $0x1  }
0x8b: {  	v3 =	vmul.f32 v3, v57;
	_ =	sdelay $0x1  }
0x8c: {  	[tilespmem:s23+$0x0] =	vst v3;
	v3 =	vld [tilespmem:s23+$0x10];
	_ =	sdelay $0x4  }
0x8d: {  	v3 =	vmul.f32 v3, v57;
	_ =	sdelay $0x1  }
0x8e: {  	[tilespmem:s23+$0x10] =	vst v3;
	v3 =	vld [tilespmem:s23+$0x20];
	_ =	sdelay $0x4  }
0x8f: {  	v3 =	vmul.f32 v3, v57;
	_ =	sdelay $0x1  }
0x90: {  	[tilespmem:s23+$0x20] =	vst v3;
	v3 =	vld [tilespmem:s23+$0x30];
	_ =	sdelay $0x4  }
0x91: {  	v3 =	vmul.f32 v3, v57;
	_ =	sdelay $0x1  }
0x92: {  	[tilespmem:s23+$0x30] =	vst v3;
	v3 =	vld [tilespmem:s23+$0x40];
	_ =	sdelay $0x2  }
0x93: {  	v58 =	vbroadcast v2, $0x9;
	_ =	sdelay $0x1  }
0x94: {  	v3 =	vmul.f32 v3, v58;
	_ =	sdelay $0x1  }
0x95: {  	[tilespmem:s23+$0x40] =	vst v3;
	v3 =	vld [tilespmem:s23+$0x50];
	_ =	sdelay $0x4  }
0x96: {  	v3 =	vmul.f32 v3, v58;
	_ =	sdelay $0x1  }
0x97: {  	[tilespmem:s23+$0x50] =	vst v3;
	v3 =	vld [tilespmem:s23+$0x60];
	_ =	sdelay $0x4  }
0x98: {  	v3 =	vmul.f32 v3, v58;
	_ =	sdelay $0x1  }
0x99: {  	[tilespmem:s23+$0x60] =	vst v3;
	v3 =	vld [tilespmem:s23+$0x70];
	_ =	sdelay $0x4  }
0x9a: {  	v3 =	vmul.f32 v3, v58;
	_ =	sdelay $0x1  }
0x9b: {  	[tilespmem:s23+$0x70] =	vst v3;
	v3 =	vld [tilespmem:s23+$0x80];
	_ =	sdelay $0x2  }
0x9c: {  	v59 =	vbroadcast v2, $0xA;
	_ =	sdelay $0x1  }
0x9d: {  	v3 =	vmul.f32 v3, v59;
	_ =	sdelay $0x1  }
0x9e: {  	[tilespmem:s23+$0x80] =	vst v3;
	v3 =	vld [tilespmem:s23+$0x90];
	_ =	sdelay $0x4  }
0x9f: {  	v3 =	vmul.f32 v3, v59;
	_ =	sdelay $0x1  }
0xa0: {  	[tilespmem:s23+$0x90] =	vst v3;
	v3 =	vld [tilespmem:s23+$0xA0];
	_ =	sdelay $0x4  }
0xa1: {  	v3 =	vmul.f32 v3, v59;
	_ =	sdelay $0x1  }
0xa2: {  	[tilespmem:s23+$0xA0] =	vst v3;
	v3 =	vld [tilespmem:s23+$0xB0];
	_ =	sdelay $0x4  }
0xa3: {  	v3 =	vmul.f32 v3, v59;
	_ =	sdelay $0x1  }
0xa4: {  	[tilespmem:s23+$0xB0] =	vst v3;
	v3 =	vld [tilespmem:s23+$0xC0];
	_ =	sdelay $0x2  }
0xa5: {  	v60 =	vbroadcast v2, $0xB;
	_ =	sdelay $0x1  }
0xa6: {  	v3 =	vmul.f32 v3, v60;
	_ =	sdelay $0x1  }
0xa7: {  	[tilespmem:s23+$0xC0] =	vst v3;
	v3 =	vld [tilespmem:s23+$0xD0];
	_ =	sdelay $0x4  }
0xa8: {  	v3 =	vmul.f32 v3, v60;
	_ =	sdelay $0x1  }
0xa9: {  	[tilespmem:s23+$0xD0] =	vst v3;
	v3 =	vld [tilespmem:s23+$0xE0];
	_ =	sdelay $0x4  }
0xaa: {  	v3 =	vmul.f32 v3, v60;
	_ =	sdelay $0x1  }
0xab: {  	[tilespmem:s23+$0xE0] =	vst v3;
	v3 =	vld [tilespmem:s23+$0xF0];
	_ =	sdelay $0x4  }
0xac: {  	v3 =	vmul.f32 v3, v60;
	_ =	sdelay $0x1  }
0xad: {  	[tilespmem:s23+$0xF0] =	vst v3;
	v3 =	vld [tilespmem:s23+$0x100];
	_ =	sdelay $0x2  }
0xae: {  	v61 =	vbroadcast v2, $0xC;
	_ =	sdelay $0x1  }
0xaf: {  	v3 =	vmul.f32 v3, v61;
	_ =	sdelay $0x1  }
0xb0: {  	[tilespmem:s23+$0x100] =	vst v3;
	v3 =	vld [tilespmem:s23+$0x110];
	_ =	sdelay $0x4  }
0xb1: {  	v3 =	vmul.f32 v3, v61;
	_ =	sdelay $0x1  }
0xb2: {  	[tilespmem:s23+$0x110] =	vst v3;
	v3 =	vld [tilespmem:s23+$0x120];
	_ =	sdelay $0x4  }
0xb3: {  	v3 =	vmul.f32 v3, v61;
	_ =	sdelay $0x1  }
0xb4: {  	[tilespmem:s23+$0x120] =	vst v3;
	v3 =	vld [tilespmem:s23+$0x130];
	_ =	sdelay $0x4  }
0xb5: {  	v3 =	vmul.f32 v3, v61;
	_ =	sdelay $0x1  }
0xb6: {  	[tilespmem:s23+$0x130] =	vst v3;
	v3 =	vld [tilespmem:s23+$0x140];
	_ =	sdelay $0x2  }
0xb7: {  	v62 =	vbroadcast v2, $0xD;
	_ =	sdelay $0x1  }
0xb8: {  	v3 =	vmul.f32 v3, v62;
	_ =	sdelay $0x1  }
0xb9: {  	[tilespmem:s23+$0x140] =	vst v3;
	v3 =	vld [tilespmem:s23+$0x150];
	_ =	sdelay $0x4  }
0xba: {  	v3 =	vmul.f32 v3, v62;
	_ =	sdelay $0x1  }
0xbb: {  	[tilespmem:s23+$0x150] =	vst v3;
	v3 =	vld [tilespmem:s23+$0x160];
	_ =	sdelay $0x4  }
0xbc: {  	v3 =	vmul.f32 v3, v62;
	_ =	sdelay $0x1  }
0xbd: {  	[tilespmem:s23+$0x160] =	vst v3;
	v3 =	vld [tilespmem:s23+$0x170];
	_ =	sdelay $0x4  }
0xbe: {  	v3 =	vmul.f32 v3, v62;
	_ =	sdelay $0x1  }
0xbf: {  	[tilespmem:s23+$0x170] =	vst v3;
	v3 =	vld [tilespmem:s23+$0x180];
	_ =	sdelay $0x2  }
0xc0: {  	v63 =	vbroadcast v2, $0xE;
	_ =	sdelay $0x1  }
0xc1: {  	v3 =	vmul.f32 v3, v63;
	_ =	sdelay $0x1  }
0xc2: {  	[tilespmem:s23+$0x180] =	vst v3;
	v3 =	vld [tilespmem:s23+$0x190];
	_ =	sdelay $0x4  }
0xc3: {  	v3 =	vmul.f32 v3, v63;
	_ =	sdelay $0x1  }
0xc4: {  	[tilespmem:s23+$0x190] =	vst v3;
	v3 =	vld [tilespmem:s23+$0x1A0];
	_ =	sdelay $0x4  }
0xc5: {  	v3 =	vmul.f32 v3, v63;
	_ =	sdelay $0x1  }
0xc6: {  	[tilespmem:s23+$0x1A0] =	vst v3;
	v3 =	vld [tilespmem:s23+$0x1B0];
	_ =	sdelay $0x4  }
0xc7: {  	v3 =	vmul.f32 v3, v63;
	_ =	sdelay $0x1  }
0xc8: {  	[tilespmem:s23+$0x1B0] =	vst v3;
	v3 =	vld [tilespmem:s23+$0x1C0];
	_ =	sdelay $0x2  }
0xc9: {  	v2 =	vbroadcast v2, $0xF;
	_ =	sdelay $0x1  }
0xca: {  	v3 =	vmul.f32 v3, v2;
	_ =	sdelay $0x1  }
0xcb: {  	[tilespmem:s23+$0x1C0] =	vst v3;
	v3 =	vld [tilespmem:s23+$0x1D0];
	_ =	sdelay $0x4  }
0xcc: {  	v3 =	vmul.f32 v3, v2;
	_ =	sdelay $0x1  }
0xcd: {  	[tilespmem:s23+$0x1D0] =	vst v3;
	v3 =	vld [tilespmem:s23+$0x1E0];
	_ =	sdelay $0x4  }
0xce: {  	v3 =	vmul.f32 v3, v2;
	_ =	sdelay $0x1  }
0xcf: {  	[tilespmem:s23+$0x1E0] =	vst v3;
	v3 =	vld [tilespmem:s23+$0x1F0];
	_ =	sdelay $0x1  }
0xd0: {  	p0 =	sne.s32 s24, $0x1C0  }
.Ltmp1:
0xd1: {  	_ = 	snop;
	(pc) =	sbr.rel @p0 .LBB2_5-.Ltmp1, $3  }
0xd2: {  	_ = 	snop  }
0xd3: {  	v2 =	vmul.f32 v3, v2;
	_ =	sdelay $0x1  }
0xd4: {  	s24 =	sadd.s32 $0x40, s24;
	[tilespmem:s23+$0x1F0] =	vst v2;
	s23 =	sadd.s32 $0x400, s23  }
0xd5: {  	s20 =	sadd.s32 $0x1, s20  }
0xd6: {  	p0 =	sne.s32 s20, $0x28  }
.Ltmp2:
0xd7: {  	s22 =	sadd.s32 $0x1400, s22;
	(pc) =	sbr.rel @p0 .LBB2_4-.Ltmp2, $4  }
0xd8: {  	[spmem:s2] =	stream.indirect.scatter.add.f32 [tilespmem:s14], [sflag:$0x2], $0x40, s22, s17, $0xb8;
	[tilespmem:$0xFC00] =	vst v63  }
0xd9: {  	_ =	swait.ge [sflag:s15], $0x2000  }
0xda: {  	[sflag:s15] =	ssyncset.done $0x0  }
0xdb: {  	s21 =	sadd.s32 $0x80, s21;
	[sflag:s15] =	ssyncadd.s32 $0xFFFFE000  }
0xdc: {  	s3 =	sadd.s32 $0x1, s3  }
0xdd: {  	s20 =	sshll.u32 s0, $0x6;
	[bflag:$0x0] =	sbarrier.arrive $0xFFFF;
	p0 =	sne.s32 s3, s13  }
.Ltmp3:
0xde: {  	s21 =	sshrl.u32 s5, $0x3;
	s20 =	sor.u32 $0x1C02, s20;
	(pc) =	sbr.rel @p0 .LBB2_1-.Ltmp3, $4  }
0xdf: {  	[hbm:s19], [sflag:s20] =	dma.local [spmem:s21], $0x1400  }
0xe0: {  	_ =	swait.ge [sflag:s15], $0x1400  }
0xe1: {  	[sflag:s15] =	ssyncset.done $0x0  }
0xe2: {  	[sflag:s15] =	ssyncadd.s32 $0xFFFFEC00  }
0xe3: {  	_ =	sfence.sel $0x180000  }
0xe4: {  	[bflag:$0x0] =	sbarrier.arrive $0xFFFF  }
0xe5: {  	p0 =	sne.s32 s0, $0x0;
	_ =	strace $0x90000047  }
0xe6: {  	s0 =	sadd.s32 @!p0 $0x100000, s1;
	[bflag:$0x2] =	sbarrier.arrive $0xFFFF  }
0xe7: {  	[sflag:s0] =	ssyncadd.tile.s32 @!p0 $0x1;
	_ =	shalt  }
.Lfunc_end2:
_tile_overlayer_lowered:
.L_overlay_start_2:
0xe8: {  	(tag) =	ssettag $0x2  }
0xe9: {  	s0 =	rddreg [dreg:$0x0];
	s2 =	stileid.u32  }
0xea: {  	s1 =	rddreg [dreg:$0x1];
	p0 =	sne.s32 s2, $0x0  }
0xeb: {  	s3 =	rddreg [dreg:$0x2];
	[bflag:$0x3] =	sbarrier.arrive $0xFFFF;
	s2 =	simm.s32 @!p0 $0x1C02  }
0xec: {  	[timem:s3], [sflag:s2] =	dma.local @!p0 [hbm:s0], s1  }
0xed: {  	s0 =	simm.s32 @!p0 $0x2  }
0xee: {  	_ =	swait.ge @!p0 [sflag:s0], s1  }
0xef: {  	s1 =	ssub.s32 @!p0 $0x0, s1;
	[sflag:s0] =	ssyncset.done @!p0 $0x0  }
0xf0: {  	[sflag:s0] =	ssyncadd.s32 @!p0 s1  }
0xf1: {  	[bflag:$0x3] =	sbarrier.arrive $0xFFFF  }
0xf2: {  	_ =	shalt  }

</sc_bundles>
